<compile_context>
chip_gen: v7x
topology: tpu7x:2x2x1
jax: 0.10.2.dev20260603
libtpu: 0.0.44.dev20260713+nightly
codegen_flags: <defaults>
</compile_context>

<pallas_src>
import functools

import jax
import jax.numpy as jnp
from jax import lax
from jax.experimental import pallas as pl
from jax.experimental.pallas import tpu as pltpu
from jax.experimental.pallas import tpu_sc as plsc

VOCAB_SIZE = 1000000
EMBEDDING_DIM = 16
NUM_NS = 4
BATCH = 16384

_NC = 2
_NS = 16
_NW = _NC * _NS
_LANES = 16

_B_PER_W = BATCH // _NW
_J_PER_W = _B_PER_W * (NUM_NS + 1)
_CHUNK = 128


def _sc_kernel(tgt_idx_hbm, ctx_idx_hbm, ttab_hbm, ctab_hbm, out_hbm,
               tgt_idx_v, ctx_idx_v, tgt_rows_v, ctx_rows_v, out_v, sem):
    wid = lax.axis_index("s") * _NC + lax.axis_index("c")
    b_base = wid * _B_PER_W
    j_base = wid * _J_PER_W

    pltpu.sync_copy(tgt_idx_hbm.at[pl.ds(b_base, _B_PER_W)], tgt_idx_v)
    pltpu.sync_copy(ctx_idx_hbm.at[pl.ds(j_base, _J_PER_W)], ctx_idx_v)

    copies = []
    for k in range(_B_PER_W // _CHUNK):
        copies.append(pltpu.async_copy(
            ttab_hbm.at[tgt_idx_v.at[pl.ds(k * _CHUNK, _CHUNK)]],
            tgt_rows_v.at[pl.ds(k * _CHUNK, _CHUNK)], sem))
    for k in range(_J_PER_W // _CHUNK):
        copies.append(pltpu.async_copy(
            ctab_hbm.at[ctx_idx_v.at[pl.ds(k * _CHUNK, _CHUNK)]],
            ctx_rows_v.at[pl.ds(k * _CHUNK, _CHUNK)], sem))
    for c in copies:
        c.wait()

    lanes = lax.iota(jnp.int32, _LANES)

    def body(k, carry):
        jvec = lanes + k * _LANES
        bvec = lax.div(jvec, NUM_NS + 1)
        acc = jnp.zeros((_LANES,), jnp.float32)
        for d in range(EMBEDDING_DIM):
            dvec = jnp.full((_LANES,), d, jnp.int32)
            cv = plsc.load_gather(ctx_rows_v, [jvec, dvec])
            tv = plsc.load_gather(tgt_rows_v, [bvec, dvec])
            acc = acc + cv * tv
        out_v[pl.ds(k * _LANES, _LANES)] = acc
        return carry

    lax.fori_loop(0, _J_PER_W // _LANES, body, 0)

    pltpu.sync_copy(out_v, out_hbm.at[pl.ds(j_base, _J_PER_W)])


@jax.jit
def kernel(target, context, target_table, context_table):
    tgt_idx = target.reshape(BATCH)
    ctx_idx = context.reshape(BATCH * (NUM_NS + 1))

    run = pl.kernel(
        _sc_kernel,
        out_type=jax.ShapeDtypeStruct((BATCH * (NUM_NS + 1),), jnp.float32),
        mesh=plsc.VectorSubcoreMesh(core_axis_name="c", subcore_axis_name="s"),
        compiler_params=pltpu.CompilerParams(
            needs_layout_passes=False, use_tc_tiling_on_sc=False),
        scratch_types=[
            pltpu.VMEM((_B_PER_W,), jnp.int32),
            pltpu.VMEM((_J_PER_W,), jnp.int32),
            pltpu.VMEM((_B_PER_W, EMBEDDING_DIM), jnp.float32),
            pltpu.VMEM((_J_PER_W, EMBEDDING_DIM), jnp.float32),
            pltpu.VMEM((_J_PER_W,), jnp.float32),
            pltpu.SemaphoreType.DMA,
        ],
    )
    out = run(tgt_idx, ctx_idx, target_table, context_table)
    return out.reshape(BATCH, NUM_NS + 1)

# --- scband reference (transcript-rebuilt; emitter-appended) ---
"""Pipeline reference for scband-word2-vec-16406775071450 (READ-ONLY COPY).

The authoritative reference and input builder live on the scoring server;
editing this copy changes nothing except your own understanding.
"""

import jax, jax.numpy as jnp
import numpy as np

VOCAB_SIZE = 1000000
EMBEDDING_DIM = 16
NUM_NS = 4
BATCH = 16384


def setup_inputs(seed: int = 0) -> dict:
    key = jax.random.key(seed)
    k1, k2, k3, k4 = jax.random.split(key, 4)
    target = jax.random.randint(k1, (BATCH, 1), 0, VOCAB_SIZE, dtype=jnp.int64 if jax.config.jax_enable_x64 else jnp.int32).astype(jnp.int32)
    context = jax.random.randint(k2, (BATCH, NUM_NS + 1), 0, VOCAB_SIZE).astype(jnp.int32)
    # Learned parameters: two embedding tables (keras Embedding default init is uniform(-0.05, 0.05))
    target_table = jax.random.uniform(k3, (VOCAB_SIZE, EMBEDDING_DIM), dtype=jnp.float32, minval=-0.05, maxval=0.05)
    context_table = jax.random.uniform(k4, (VOCAB_SIZE, EMBEDDING_DIM), dtype=jnp.float32, minval=-0.05, maxval=0.05)
    return {"target": target, "context": context, "target_table": target_table, "context_table": context_table}


def reference(target, context, target_table, context_table):
    # target_embedding lookup: [B, 1] -> [B, 1, D]
    word_emb = jnp.take(target_table, target, axis=0)
    # context_embedding lookup: [B, num_ns+1] -> [B, num_ns+1, D]
    context_emb = jnp.take(context_table, context, axis=0)
    # Dot(axes=(3,2)) over embedding dim: [B, num_ns+1, D] x [B, 1, D] -> [B, num_ns+1, 1]
    dots = jnp.einsum('bcd,bud->bcu', context_emb, word_emb)
    # Flatten: [B, num_ns+1, 1] -> [B, num_ns+1]
    return dots.reshape(dots.shape[0], -1)

if __name__ == "__main__":
    import jax
    _d = setup_inputs()
    print(jax.jit(kernel)(*tuple(_d.values())))

</pallas_src>

<mosaic_0001>
#map = affine_map<(d0, d1) -> (0)>
#map1 = affine_map<(d0, d1) -> (0, 0)>
module attributes {stable_mosaic.version = 14 : i64} {
  func.func @_sc_kernel(%arg0: i32, %arg1: i32, %arg2: memref<16384xi32, #tpu.memory_space<hbm>>, %arg3: memref<81920xi32, #tpu.memory_space<hbm>>, %arg4: memref<1000000x16xf32, #tpu.memory_space<hbm>>, %arg5: memref<1000000x16xf32, #tpu.memory_space<hbm>>, %arg6: memref<81920xf32, #tpu.memory_space<hbm>>, %arg7: memref<512xi32, #tpu.memory_space<vmem>>, %arg8: memref<2560xi32, #tpu.memory_space<vmem>>, %arg9: memref<512x16xf32, #tpu.memory_space<vmem>>, %arg10: memref<2560x16xf32, #tpu.memory_space<vmem>>, %arg11: memref<2560xf32, #tpu.memory_space<vmem>>, %arg12: memref<!tpu.dma_semaphore, #tpu.memory_space<semaphore_mem>>) attributes {dimension_semantics = [#tpu.dimension_semantics<core_parallel>, #tpu.dimension_semantics<subcore_parallel>], iteration_bounds = array<i64: 2, 16>, scalar_prefetch = 0 : i64, scratch_operands = 6 : i64, tpu.core_type = #tpu.core_type<sc_vector_subcore>, window_params = [{transform_indices = #map}, {transform_indices = #map}, {transform_indices = #map1}, {transform_indices = #map1}, {transform_indices = #map}]} {
    %mul3A = arith.constant 2 : i32
    %mul3A_0 = arith.muli %arg1, %mul3A : i32
    %add3A = arith.addi %mul3A_0, %arg0 : i32
    %mul3A_1 = arith.constant 512 : i32
    %mul3A_2 = arith.muli %add3A, %mul3A_1 : i32
    %mul3A_3 = arith.constant 2560 : i32
    %mul3A_4 = arith.muli %add3A, %mul3A_3 : i32
    "tpu.region"() ({
      %run_scoped3A = tpu.sem_alloc : memref<!tpu.dma_semaphore, #tpu.memory_space<semaphore_mem>>
      %dma_start3A_392 = tpu.memref_slice %arg2[%mul3A_2] : memref<16384xi32, #tpu.memory_space<hbm>> -> memref<512xi32, #tpu.memory_space<hbm>>
      %dma_start3A_393 = tpu.memref_slice %arg2[%mul3A_2] : memref<16384xi32, #tpu.memory_space<hbm>> -> memref<512xi32, #tpu.memory_space<hbm>>
      tpu.enqueue_dma source(%dma_start3A_393 : memref<512xi32, #tpu.memory_space<hbm>>) target(%arg7 : memref<512xi32, #tpu.memory_space<vmem>>) target_semaphore(%run_scoped3A : memref<!tpu.dma_semaphore, #tpu.memory_space<semaphore_mem>>)
      %dma_wait3A_394 = tpu.memref_slice %arg2[%mul3A_2] : memref<16384xi32, #tpu.memory_space<hbm>> -> memref<512xi32, #tpu.memory_space<hbm>>
      %dma_wait3A_395 = tpu.memref_slice %arg2[%mul3A_2] : memref<16384xi32, #tpu.memory_space<hbm>> -> memref<512xi32, #tpu.memory_space<hbm>>
      tpu.wait_dma2 semaphore(%run_scoped3A : memref<!tpu.dma_semaphore, #tpu.memory_space<semaphore_mem>>) src(%dma_wait3A_395 : memref<512xi32, #tpu.memory_space<hbm>>) dst(%arg7 : memref<512xi32, #tpu.memory_space<vmem>>)
      tpu.yield
    }) : () -> ()
    "tpu.region"() ({
      %run_scoped3A = tpu.sem_alloc : memref<!tpu.dma_semaphore, #tpu.memory_space<semaphore_mem>>
      %dma_start3A_392 = tpu.memref_slice %arg3[%mul3A_4] : memref<81920xi32, #tpu.memory_space<hbm>> -> memref<2560xi32, #tpu.memory_space<hbm>>
      %dma_start3A_393 = tpu.memref_slice %arg3[%mul3A_4] : memref<81920xi32, #tpu.memory_space<hbm>> -> memref<2560xi32, #tpu.memory_space<hbm>>
      tpu.enqueue_dma source(%dma_start3A_393 : memref<2560xi32, #tpu.memory_space<hbm>>) target(%arg8 : memref<2560xi32, #tpu.memory_space<vmem>>) target_semaphore(%run_scoped3A : memref<!tpu.dma_semaphore, #tpu.memory_space<semaphore_mem>>)
      %dma_wait3A_394 = tpu.memref_slice %arg3[%mul3A_4] : memref<81920xi32, #tpu.memory_space<hbm>> -> memref<2560xi32, #tpu.memory_space<hbm>>
      %dma_wait3A_395 = tpu.memref_slice %arg3[%mul3A_4] : memref<81920xi32, #tpu.memory_space<hbm>> -> memref<2560xi32, #tpu.memory_space<hbm>>
      tpu.wait_dma2 semaphore(%run_scoped3A : memref<!tpu.dma_semaphore, #tpu.memory_space<semaphore_mem>>) src(%dma_wait3A_395 : memref<2560xi32, #tpu.memory_space<hbm>>) dst(%arg8 : memref<2560xi32, #tpu.memory_space<vmem>>)
      tpu.yield
    }) : () -> ()
    %dma_start3A = arith.constant 0 : i32
    %dma_start3A_5 = arith.constant 0 : i32
    %dma_start3A_6 = tpu.memref_slice %arg9[%dma_start3A, %dma_start3A_5] : memref<512x16xf32, #tpu.memory_space<vmem>> -> memref<128x16xf32, #tpu.memory_space<vmem>>
    %dma_start3A_7 = arith.constant 0 : i32
    %dma_start3A_8 = tpu.memref_slice %arg7[%dma_start3A_7] : memref<512xi32, #tpu.memory_space<vmem>> -> memref<128xi32, #tpu.memory_space<vmem>>
    %dma_start3A_9 = arith.constant 0 : i32
    %dma_start3A_10 = arith.constant 0 : i32
    %dma_start3A_11 = tpu.memref_slice %arg4[%dma_start3A_9, %dma_start3A_10] : memref<1000000x16xf32, #tpu.memory_space<hbm>> -> memref<1000000x16xf32, #tpu.memory_space<hbm>>
    tpu.enqueue_indirect_dma source(%dma_start3A_11 : memref<1000000x16xf32, #tpu.memory_space<hbm>>) target(%dma_start3A_6 : memref<128x16xf32, #tpu.memory_space<vmem>>) offsets(%dma_start3A_8 : memref<128xi32, #tpu.memory_space<vmem>>) semaphore(%arg12 : memref<!tpu.dma_semaphore, #tpu.memory_space<semaphore_mem>>)
    %dma_start3A_12 = arith.constant 128 : i32
    %dma_start3A_13 = arith.constant 0 : i32
    %dma_start3A_14 = tpu.memref_slice %arg9[%dma_start3A_12, %dma_start3A_13] : memref<512x16xf32, #tpu.memory_space<vmem>> -> memref<128x16xf32, #tpu.memory_space<vmem>>
    %dma_start3A_15 = arith.constant 128 : i32
    %dma_start3A_16 = tpu.memref_slice %arg7[%dma_start3A_15] : memref<512xi32, #tpu.memory_space<vmem>> -> memref<128xi32, #tpu.memory_space<vmem>>
    %dma_start3A_17 = arith.constant 0 : i32
    %dma_start3A_18 = arith.constant 0 : i32
    %dma_start3A_19 = tpu.memref_slice %arg4[%dma_start3A_17, %dma_start3A_18] : memref<1000000x16xf32, #tpu.memory_space<hbm>> -> memref<1000000x16xf32, #tpu.memory_space<hbm>>
    tpu.enqueue_indirect_dma source(%dma_start3A_19 : memref<1000000x16xf32, #tpu.memory_space<hbm>>) target(%dma_start3A_14 : memref<128x16xf32, #tpu.memory_space<vmem>>) offsets(%dma_start3A_16 : memref<128xi32, #tpu.memory_space<vmem>>) semaphore(%arg12 : memref<!tpu.dma_semaphore, #tpu.memory_space<semaphore_mem>>)
    %dma_start3A_20 = arith.constant 256 : i32
    %dma_start3A_21 = arith.constant 0 : i32
    %dma_start3A_22 = tpu.memref_slice %arg9[%dma_start3A_20, %dma_start3A_21] : memref<512x16xf32, #tpu.memory_space<vmem>> -> memref<128x16xf32, #tpu.memory_space<vmem>>
    %dma_start3A_23 = arith.constant 256 : i32
    %dma_start3A_24 = tpu.memref_slice %arg7[%dma_start3A_23] : memref<512xi32, #tpu.memory_space<vmem>> -> memref<128xi32, #tpu.memory_space<vmem>>
    %dma_start3A_25 = arith.constant 0 : i32
    %dma_start3A_26 = arith.constant 0 : i32
    %dma_start3A_27 = tpu.memref_slice %arg4[%dma_start3A_25, %dma_start3A_26] : memref<1000000x16xf32, #tpu.memory_space<hbm>> -> memref<1000000x16xf32, #tpu.memory_space<hbm>>
    tpu.enqueue_indirect_dma source(%dma_start3A_27 : memref<1000000x16xf32, #tpu.memory_space<hbm>>) target(%dma_start3A_22 : memref<128x16xf32, #tpu.memory_space<vmem>>) offsets(%dma_start3A_24 : memref<128xi32, #tpu.memory_space<vmem>>) semaphore(%arg12 : memref<!tpu.dma_semaphore, #tpu.memory_space<semaphore_mem>>)
    %dma_start3A_28 = arith.constant 384 : i32
    %dma_start3A_29 = arith.constant 0 : i32
    %dma_start3A_30 = tpu.memref_slice %arg9[%dma_start3A_28, %dma_start3A_29] : memref<512x16xf32, #tpu.memory_space<vmem>> -> memref<128x16xf32, #tpu.memory_space<vmem>>
    %dma_start3A_31 = arith.constant 384 : i32
    %dma_start3A_32 = tpu.memref_slice %arg7[%dma_start3A_31] : memref<512xi32, #tpu.memory_space<vmem>> -> memref<128xi32, #tpu.memory_space<vmem>>
    %dma_start3A_33 = arith.constant 0 : i32
    %dma_start3A_34 = arith.constant 0 : i32
    %dma_start3A_35 = tpu.memref_slice %arg4[%dma_start3A_33, %dma_start3A_34] : memref<1000000x16xf32, #tpu.memory_space<hbm>> -> memref<1000000x16xf32, #tpu.memory_space<hbm>>
    tpu.enqueue_indirect_dma source(%dma_start3A_35 : memref<1000000x16xf32, #tpu.memory_space<hbm>>) target(%dma_start3A_30 : memref<128x16xf32, #tpu.memory_space<vmem>>) offsets(%dma_start3A_32 : memref<128xi32, #tpu.memory_space<vmem>>) semaphore(%arg12 : memref<!tpu.dma_semaphore, #tpu.memory_space<semaphore_mem>>)
    %dma_start3A_36 = arith.constant 0 : i32
    %dma_start3A_37 = arith.constant 0 : i32
    %dma_start3A_38 = tpu.memref_slice %arg10[%dma_start3A_36, %dma_start3A_37] : memref<2560x16xf32, #tpu.memory_space<vmem>> -> memref<128x16xf32, #tpu.memory_space<vmem>>
    %dma_start3A_39 = arith.constant 0 : i32
    %dma_start3A_40 = tpu.memref_slice %arg8[%dma_start3A_39] : memref<2560xi32, #tpu.memory_space<vmem>> -> memref<128xi32, #tpu.memory_space<vmem>>
    %dma_start3A_41 = arith.constant 0 : i32
    %dma_start3A_42 = arith.constant 0 : i32
    %dma_start3A_43 = tpu.memref_slice %arg5[%dma_start3A_41, %dma_start3A_42] : memref<1000000x16xf32, #tpu.memory_space<hbm>> -> memref<1000000x16xf32, #tpu.memory_space<hbm>>
    tpu.enqueue_indirect_dma source(%dma_start3A_43 : memref<1000000x16xf32, #tpu.memory_space<hbm>>) target(%dma_start3A_38 : memref<128x16xf32, #tpu.memory_space<vmem>>) offsets(%dma_start3A_40 : memref<128xi32, #tpu.memory_space<vmem>>) semaphore(%arg12 : memref<!tpu.dma_semaphore, #tpu.memory_space<semaphore_mem>>)
    %dma_start3A_44 = arith.constant 128 : i32
    %dma_start3A_45 = arith.constant 0 : i32
    %dma_start3A_46 = tpu.memref_slice %arg10[%dma_start3A_44, %dma_start3A_45] : memref<2560x16xf32, #tpu.memory_space<vmem>> -> memref<128x16xf32, #tpu.memory_space<vmem>>
    %dma_start3A_47 = arith.constant 128 : i32
    %dma_start3A_48 = tpu.memref_slice %arg8[%dma_start3A_47] : memref<2560xi32, #tpu.memory_space<vmem>> -> memref<128xi32, #tpu.memory_space<vmem>>
    %dma_start3A_49 = arith.constant 0 : i32
    %dma_start3A_50 = arith.constant 0 : i32
    %dma_start3A_51 = tpu.memref_slice %arg5[%dma_start3A_49, %dma_start3A_50] : memref<1000000x16xf32, #tpu.memory_space<hbm>> -> memref<1000000x16xf32, #tpu.memory_space<hbm>>
    tpu.enqueue_indirect_dma source(%dma_start3A_51 : memref<1000000x16xf32, #tpu.memory_space<hbm>>) target(%dma_start3A_46 : memref<128x16xf32, #tpu.memory_space<vmem>>) offsets(%dma_start3A_48 : memref<128xi32, #tpu.memory_space<vmem>>) semaphore(%arg12 : memref<!tpu.dma_semaphore, #tpu.memory_space<semaphore_mem>>)
    %dma_start3A_52 = arith.constant 256 : i32
    %dma_start3A_53 = arith.constant 0 : i32
    %dma_start3A_54 = tpu.memref_slice %arg10[%dma_start3A_52, %dma_start3A_53] : memref<2560x16xf32, #tpu.memory_space<vmem>> -> memref<128x16xf32, #tpu.memory_space<vmem>>
    %dma_start3A_55 = arith.constant 256 : i32
    %dma_start3A_56 = tpu.memref_slice %arg8[%dma_start3A_55] : memref<2560xi32, #tpu.memory_space<vmem>> -> memref<128xi32, #tpu.memory_space<vmem>>
    %dma_start3A_57 = arith.constant 0 : i32
    %dma_start3A_58 = arith.constant 0 : i32
    %dma_start3A_59 = tpu.memref_slice %arg5[%dma_start3A_57, %dma_start3A_58] : memref<1000000x16xf32, #tpu.memory_space<hbm>> -> memref<1000000x16xf32, #tpu.memory_space<hbm>>
    tpu.enqueue_indirect_dma source(%dma_start3A_59 : memref<1000000x16xf32, #tpu.memory_space<hbm>>) target(%dma_start3A_54 : memref<128x16xf32, #tpu.memory_space<vmem>>) offsets(%dma_start3A_56 : memref<128xi32, #tpu.memory_space<vmem>>) semaphore(%arg12 : memref<!tpu.dma_semaphore, #tpu.memory_space<semaphore_mem>>)
    %dma_start3A_60 = arith.constant 384 : i32
    %dma_start3A_61 = arith.constant 0 : i32
    %dma_start3A_62 = tpu.memref_slice %arg10[%dma_start3A_60, %dma_start3A_61] : memref<2560x16xf32, #tpu.memory_space<vmem>> -> memref<128x16xf32, #tpu.memory_space<vmem>>
    %dma_start3A_63 = arith.constant 384 : i32
    %dma_start3A_64 = tpu.memref_slice %arg8[%dma_start3A_63] : memref<2560xi32, #tpu.memory_space<vmem>> -> memref<128xi32, #tpu.memory_space<vmem>>
    %dma_start3A_65 = arith.constant 0 : i32
    %dma_start3A_66 = arith.constant 0 : i32
    %dma_start3A_67 = tpu.memref_slice %arg5[%dma_start3A_65, %dma_start3A_66] : memref<1000000x16xf32, #tpu.memory_space<hbm>> -> memref<1000000x16xf32, #tpu.memory_space<hbm>>
    tpu.enqueue_indirect_dma source(%dma_start3A_67 : memref<1000000x16xf32, #tpu.memory_space<hbm>>) target(%dma_start3A_62 : memref<128x16xf32, #tpu.memory_space<vmem>>) offsets(%dma_start3A_64 : memref<128xi32, #tpu.memory_space<vmem>>) semaphore(%arg12 : memref<!tpu.dma_semaphore, #tpu.memory_space<semaphore_mem>>)
    %dma_start3A_68 = arith.constant 512 : i32
    %dma_start3A_69 = arith.constant 0 : i32
    %dma_start3A_70 = tpu.memref_slice %arg10[%dma_start3A_68, %dma_start3A_69] : memref<2560x16xf32, #tpu.memory_space<vmem>> -> memref<128x16xf32, #tpu.memory_space<vmem>>
    %dma_start3A_71 = arith.constant 512 : i32
    %dma_start3A_72 = tpu.memref_slice %arg8[%dma_start3A_71] : memref<2560xi32, #tpu.memory_space<vmem>> -> memref<128xi32, #tpu.memory_space<vmem>>
    %dma_start3A_73 = arith.constant 0 : i32
    %dma_start3A_74 = arith.constant 0 : i32
    %dma_start3A_75 = tpu.memref_slice %arg5[%dma_start3A_73, %dma_start3A_74] : memref<1000000x16xf32, #tpu.memory_space<hbm>> -> memref<1000000x16xf32, #tpu.memory_space<hbm>>
    tpu.enqueue_indirect_dma source(%dma_start3A_75 : memref<1000000x16xf32, #tpu.memory_space<hbm>>) target(%dma_start3A_70 : memref<128x16xf32, #tpu.memory_space<vmem>>) offsets(%dma_start3A_72 : memref<128xi32, #tpu.memory_space<vmem>>) semaphore(%arg12 : memref<!tpu.dma_semaphore, #tpu.memory_space<semaphore_mem>>)
    %dma_start3A_76 = arith.constant 640 : i32
    %dma_start3A_77 = arith.constant 0 : i32
    %dma_start3A_78 = tpu.memref_slice %arg10[%dma_start3A_76, %dma_start3A_77] : memref<2560x16xf32, #tpu.memory_space<vmem>> -> memref<128x16xf32, #tpu.memory_space<vmem>>
    %dma_start3A_79 = arith.constant 640 : i32
    %dma_start3A_80 = tpu.memref_slice %arg8[%dma_start3A_79] : memref<2560xi32, #tpu.memory_space<vmem>> -> memref<128xi32, #tpu.memory_space<vmem>>
    %dma_start3A_81 = arith.constant 0 : i32
    %dma_start3A_82 = arith.constant 0 : i32
    %dma_start3A_83 = tpu.memref_slice %arg5[%dma_start3A_81, %dma_start3A_82] : memref<1000000x16xf32, #tpu.memory_space<hbm>> -> memref<1000000x16xf32, #tpu.memory_space<hbm>>
    tpu.enqueue_indirect_dma source(%dma_start3A_83 : memref<1000000x16xf32, #tpu.memory_space<hbm>>) target(%dma_start3A_78 : memref<128x16xf32, #tpu.memory_space<vmem>>) offsets(%dma_start3A_80 : memref<128xi32, #tpu.memory_space<vmem>>) semaphore(%arg12 : memref<!tpu.dma_semaphore, #tpu.memory_space<semaphore_mem>>)
    %dma_start3A_84 = arith.constant 768 : i32
    %dma_start3A_85 = arith.constant 0 : i32
    %dma_start3A_86 = tpu.memref_slice %arg10[%dma_start3A_84, %dma_start3A_85] : memref<2560x16xf32, #tpu.memory_space<vmem>> -> memref<128x16xf32, #tpu.memory_space<vmem>>
    %dma_start3A_87 = arith.constant 768 : i32
    %dma_start3A_88 = tpu.memref_slice %arg8[%dma_start3A_87] : memref<2560xi32, #tpu.memory_space<vmem>> -> memref<128xi32, #tpu.memory_space<vmem>>
    %dma_start3A_89 = arith.constant 0 : i32
    %dma_start3A_90 = arith.constant 0 : i32
    %dma_start3A_91 = tpu.memref_slice %arg5[%dma_start3A_89, %dma_start3A_90] : memref<1000000x16xf32, #tpu.memory_space<hbm>> -> memref<1000000x16xf32, #tpu.memory_space<hbm>>
    tpu.enqueue_indirect_dma source(%dma_start3A_91 : memref<1000000x16xf32, #tpu.memory_space<hbm>>) target(%dma_start3A_86 : memref<128x16xf32, #tpu.memory_space<vmem>>) offsets(%dma_start3A_88 : memref<128xi32, #tpu.memory_space<vmem>>) semaphore(%arg12 : memref<!tpu.dma_semaphore, #tpu.memory_space<semaphore_mem>>)
    %dma_start3A_92 = arith.constant 896 : i32
    %dma_start3A_93 = arith.constant 0 : i32
    %dma_start3A_94 = tpu.memref_slice %arg10[%dma_start3A_92, %dma_start3A_93] : memref<2560x16xf32, #tpu.memory_space<vmem>> -> memref<128x16xf32, #tpu.memory_space<vmem>>
    %dma_start3A_95 = arith.constant 896 : i32
    %dma_start3A_96 = tpu.memref_slice %arg8[%dma_start3A_95] : memref<2560xi32, #tpu.memory_space<vmem>> -> memref<128xi32, #tpu.memory_space<vmem>>
    %dma_start3A_97 = arith.constant 0 : i32
    %dma_start3A_98 = arith.constant 0 : i32
    %dma_start3A_99 = tpu.memref_slice %arg5[%dma_start3A_97, %dma_start3A_98] : memref<1000000x16xf32, #tpu.memory_space<hbm>> -> memref<1000000x16xf32, #tpu.memory_space<hbm>>
    tpu.enqueue_indirect_dma source(%dma_start3A_99 : memref<1000000x16xf32, #tpu.memory_space<hbm>>) target(%dma_start3A_94 : memref<128x16xf32, #tpu.memory_space<vmem>>) offsets(%dma_start3A_96 : memref<128xi32, #tpu.memory_space<vmem>>) semaphore(%arg12 : memref<!tpu.dma_semaphore, #tpu.memory_space<semaphore_mem>>)
    %dma_start3A_100 = arith.constant 1024 : i32
    %dma_start3A_101 = arith.constant 0 : i32
    %dma_start3A_102 = tpu.memref_slice %arg10[%dma_start3A_100, %dma_start3A_101] : memref<2560x16xf32, #tpu.memory_space<vmem>> -> memref<128x16xf32, #tpu.memory_space<vmem>>
    %dma_start3A_103 = arith.constant 1024 : i32
    %dma_start3A_104 = tpu.memref_slice %arg8[%dma_start3A_103] : memref<2560xi32, #tpu.memory_space<vmem>> -> memref<128xi32, #tpu.memory_space<vmem>>
    %dma_start3A_105 = arith.constant 0 : i32
    %dma_start3A_106 = arith.constant 0 : i32
    %dma_start3A_107 = tpu.memref_slice %arg5[%dma_start3A_105, %dma_start3A_106] : memref<1000000x16xf32, #tpu.memory_space<hbm>> -> memref<1000000x16xf32, #tpu.memory_space<hbm>>
    tpu.enqueue_indirect_dma source(%dma_start3A_107 : memref<1000000x16xf32, #tpu.memory_space<hbm>>) target(%dma_start3A_102 : memref<128x16xf32, #tpu.memory_space<vmem>>) offsets(%dma_start3A_104 : memref<128xi32, #tpu.memory_space<vmem>>) semaphore(%arg12 : memref<!tpu.dma_semaphore, #tpu.memory_space<semaphore_mem>>)
    %dma_start3A_108 = arith.constant 1152 : i32
    %dma_start3A_109 = arith.constant 0 : i32
    %dma_start3A_110 = tpu.memref_slice %arg10[%dma_start3A_108, %dma_start3A_109] : memref<2560x16xf32, #tpu.memory_space<vmem>> -> memref<128x16xf32, #tpu.memory_space<vmem>>
    %dma_start3A_111 = arith.constant 1152 : i32
    %dma_start3A_112 = tpu.memref_slice %arg8[%dma_start3A_111] : memref<2560xi32, #tpu.memory_space<vmem>> -> memref<128xi32, #tpu.memory_space<vmem>>
    %dma_start3A_113 = arith.constant 0 : i32
    %dma_start3A_114 = arith.constant 0 : i32
    %dma_start3A_115 = tpu.memref_slice %arg5[%dma_start3A_113, %dma_start3A_114] : memref<1000000x16xf32, #tpu.memory_space<hbm>> -> memref<1000000x16xf32, #tpu.memory_space<hbm>>
    tpu.enqueue_indirect_dma source(%dma_start3A_115 : memref<1000000x16xf32, #tpu.memory_space<hbm>>) target(%dma_start3A_110 : memref<128x16xf32, #tpu.memory_space<vmem>>) offsets(%dma_start3A_112 : memref<128xi32, #tpu.memory_space<vmem>>) semaphore(%arg12 : memref<!tpu.dma_semaphore, #tpu.memory_space<semaphore_mem>>)
    %dma_start3A_116 = arith.constant 1280 : i32
    %dma_start3A_117 = arith.constant 0 : i32
    %dma_start3A_118 = tpu.memref_slice %arg10[%dma_start3A_116, %dma_start3A_117] : memref<2560x16xf32, #tpu.memory_space<vmem>> -> memref<128x16xf32, #tpu.memory_space<vmem>>
    %dma_start3A_119 = arith.constant 1280 : i32
    %dma_start3A_120 = tpu.memref_slice %arg8[%dma_start3A_119] : memref<2560xi32, #tpu.memory_space<vmem>> -> memref<128xi32, #tpu.memory_space<vmem>>
    %dma_start3A_121 = arith.constant 0 : i32
    %dma_start3A_122 = arith.constant 0 : i32
    %dma_start3A_123 = tpu.memref_slice %arg5[%dma_start3A_121, %dma_start3A_122] : memref<1000000x16xf32, #tpu.memory_space<hbm>> -> memref<1000000x16xf32, #tpu.memory_space<hbm>>
    tpu.enqueue_indirect_dma source(%dma_start3A_123 : memref<1000000x16xf32, #tpu.memory_space<hbm>>) target(%dma_start3A_118 : memref<128x16xf32, #tpu.memory_space<vmem>>) offsets(%dma_start3A_120 : memref<128xi32, #tpu.memory_space<vmem>>) semaphore(%arg12 : memref<!tpu.dma_semaphore, #tpu.memory_space<semaphore_mem>>)
    %dma_start3A_124 = arith.constant 1408 : i32
    %dma_start3A_125 = arith.constant 0 : i32
    %dma_start3A_126 = tpu.memref_slice %arg10[%dma_start3A_124, %dma_start3A_125] : memref<2560x16xf32, #tpu.memory_space<vmem>> -> memref<128x16xf32, #tpu.memory_space<vmem>>
    %dma_start3A_127 = arith.constant 1408 : i32
    %dma_start3A_128 = tpu.memref_slice %arg8[%dma_start3A_127] : memref<2560xi32, #tpu.memory_space<vmem>> -> memref<128xi32, #tpu.memory_space<vmem>>
    %dma_start3A_129 = arith.constant 0 : i32
    %dma_start3A_130 = arith.constant 0 : i32
    %dma_start3A_131 = tpu.memref_slice %arg5[%dma_start3A_129, %dma_start3A_130] : memref<1000000x16xf32, #tpu.memory_space<hbm>> -> memref<1000000x16xf32, #tpu.memory_space<hbm>>
    tpu.enqueue_indirect_dma source(%dma_start3A_131 : memref<1000000x16xf32, #tpu.memory_space<hbm>>) target(%dma_start3A_126 : memref<128x16xf32, #tpu.memory_space<vmem>>) offsets(%dma_start3A_128 : memref<128xi32, #tpu.memory_space<vmem>>) semaphore(%arg12 : memref<!tpu.dma_semaphore, #tpu.memory_space<semaphore_mem>>)
    %dma_start3A_132 = arith.constant 1536 : i32
    %dma_start3A_133 = arith.constant 0 : i32
    %dma_start3A_134 = tpu.memref_slice %arg10[%dma_start3A_132, %dma_start3A_133] : memref<2560x16xf32, #tpu.memory_space<vmem>> -> memref<128x16xf32, #tpu.memory_space<vmem>>
    %dma_start3A_135 = arith.constant 1536 : i32
    %dma_start3A_136 = tpu.memref_slice %arg8[%dma_start3A_135] : memref<2560xi32, #tpu.memory_space<vmem>> -> memref<128xi32, #tpu.memory_space<vmem>>
    %dma_start3A_137 = arith.constant 0 : i32
    %dma_start3A_138 = arith.constant 0 : i32
    %dma_start3A_139 = tpu.memref_slice %arg5[%dma_start3A_137, %dma_start3A_138] : memref<1000000x16xf32, #tpu.memory_space<hbm>> -> memref<1000000x16xf32, #tpu.memory_space<hbm>>
    tpu.enqueue_indirect_dma source(%dma_start3A_139 : memref<1000000x16xf32, #tpu.memory_space<hbm>>) target(%dma_start3A_134 : memref<128x16xf32, #tpu.memory_space<vmem>>) offsets(%dma_start3A_136 : memref<128xi32, #tpu.memory_space<vmem>>) semaphore(%arg12 : memref<!tpu.dma_semaphore, #tpu.memory_space<semaphore_mem>>)
    %dma_start3A_140 = arith.constant 1664 : i32
    %dma_start3A_141 = arith.constant 0 : i32
    %dma_start3A_142 = tpu.memref_slice %arg10[%dma_start3A_140, %dma_start3A_141] : memref<2560x16xf32, #tpu.memory_space<vmem>> -> memref<128x16xf32, #tpu.memory_space<vmem>>
    %dma_start3A_143 = arith.constant 1664 : i32
    %dma_start3A_144 = tpu.memref_slice %arg8[%dma_start3A_143] : memref<2560xi32, #tpu.memory_space<vmem>> -> memref<128xi32, #tpu.memory_space<vmem>>
    %dma_start3A_145 = arith.constant 0 : i32
    %dma_start3A_146 = arith.constant 0 : i32
    %dma_start3A_147 = tpu.memref_slice %arg5[%dma_start3A_145, %dma_start3A_146] : memref<1000000x16xf32, #tpu.memory_space<hbm>> -> memref<1000000x16xf32, #tpu.memory_space<hbm>>
    tpu.enqueue_indirect_dma source(%dma_start3A_147 : memref<1000000x16xf32, #tpu.memory_space<hbm>>) target(%dma_start3A_142 : memref<128x16xf32, #tpu.memory_space<vmem>>) offsets(%dma_start3A_144 : memref<128xi32, #tpu.memory_space<vmem>>) semaphore(%arg12 : memref<!tpu.dma_semaphore, #tpu.memory_space<semaphore_mem>>)
    %dma_start3A_148 = arith.constant 1792 : i32
    %dma_start3A_149 = arith.constant 0 : i32
    %dma_start3A_150 = tpu.memref_slice %arg10[%dma_start3A_148, %dma_start3A_149] : memref<2560x16xf32, #tpu.memory_space<vmem>> -> memref<128x16xf32, #tpu.memory_space<vmem>>
    %dma_start3A_151 = arith.constant 1792 : i32
    %dma_start3A_152 = tpu.memref_slice %arg8[%dma_start3A_151] : memref<2560xi32, #tpu.memory_space<vmem>> -> memref<128xi32, #tpu.memory_space<vmem>>
    %dma_start3A_153 = arith.constant 0 : i32
    %dma_start3A_154 = arith.constant 0 : i32
    %dma_start3A_155 = tpu.memref_slice %arg5[%dma_start3A_153, %dma_start3A_154] : memref<1000000x16xf32, #tpu.memory_space<hbm>> -> memref<1000000x16xf32, #tpu.memory_space<hbm>>
    tpu.enqueue_indirect_dma source(%dma_start3A_155 : memref<1000000x16xf32, #tpu.memory_space<hbm>>) target(%dma_start3A_150 : memref<128x16xf32, #tpu.memory_space<vmem>>) offsets(%dma_start3A_152 : memref<128xi32, #tpu.memory_space<vmem>>) semaphore(%arg12 : memref<!tpu.dma_semaphore, #tpu.memory_space<semaphore_mem>>)
    %dma_start3A_156 = arith.constant 1920 : i32
    %dma_start3A_157 = arith.constant 0 : i32
    %dma_start3A_158 = tpu.memref_slice %arg10[%dma_start3A_156, %dma_start3A_157] : memref<2560x16xf32, #tpu.memory_space<vmem>> -> memref<128x16xf32, #tpu.memory_space<vmem>>
    %dma_start3A_159 = arith.constant 1920 : i32
    %dma_start3A_160 = tpu.memref_slice %arg8[%dma_start3A_159] : memref<2560xi32, #tpu.memory_space<vmem>> -> memref<128xi32, #tpu.memory_space<vmem>>
    %dma_start3A_161 = arith.constant 0 : i32
    %dma_start3A_162 = arith.constant 0 : i32
    %dma_start3A_163 = tpu.memref_slice %arg5[%dma_start3A_161, %dma_start3A_162] : memref<1000000x16xf32, #tpu.memory_space<hbm>> -> memref<1000000x16xf32, #tpu.memory_space<hbm>>
    tpu.enqueue_indirect_dma source(%dma_start3A_163 : memref<1000000x16xf32, #tpu.memory_space<hbm>>) target(%dma_start3A_158 : memref<128x16xf32, #tpu.memory_space<vmem>>) offsets(%dma_start3A_160 : memref<128xi32, #tpu.memory_space<vmem>>) semaphore(%arg12 : memref<!tpu.dma_semaphore, #tpu.memory_space<semaphore_mem>>)
    %dma_start3A_164 = arith.constant 2048 : i32
    %dma_start3A_165 = arith.constant 0 : i32
    %dma_start3A_166 = tpu.memref_slice %arg10[%dma_start3A_164, %dma_start3A_165] : memref<2560x16xf32, #tpu.memory_space<vmem>> -> memref<128x16xf32, #tpu.memory_space<vmem>>
    %dma_start3A_167 = arith.constant 2048 : i32
    %dma_start3A_168 = tpu.memref_slice %arg8[%dma_start3A_167] : memref<2560xi32, #tpu.memory_space<vmem>> -> memref<128xi32, #tpu.memory_space<vmem>>
    %dma_start3A_169 = arith.constant 0 : i32
    %dma_start3A_170 = arith.constant 0 : i32
    %dma_start3A_171 = tpu.memref_slice %arg5[%dma_start3A_169, %dma_start3A_170] : memref<1000000x16xf32, #tpu.memory_space<hbm>> -> memref<1000000x16xf32, #tpu.memory_space<hbm>>
    tpu.enqueue_indirect_dma source(%dma_start3A_171 : memref<1000000x16xf32, #tpu.memory_space<hbm>>) target(%dma_start3A_166 : memref<128x16xf32, #tpu.memory_space<vmem>>) offsets(%dma_start3A_168 : memref<128xi32, #tpu.memory_space<vmem>>) semaphore(%arg12 : memref<!tpu.dma_semaphore, #tpu.memory_space<semaphore_mem>>)
    %dma_start3A_172 = arith.constant 2176 : i32
    %dma_start3A_173 = arith.constant 0 : i32
    %dma_start3A_174 = tpu.memref_slice %arg10[%dma_start3A_172, %dma_start3A_173] : memref<2560x16xf32, #tpu.memory_space<vmem>> -> memref<128x16xf32, #tpu.memory_space<vmem>>
    %dma_start3A_175 = arith.constant 2176 : i32
    %dma_start3A_176 = tpu.memref_slice %arg8[%dma_start3A_175] : memref<2560xi32, #tpu.memory_space<vmem>> -> memref<128xi32, #tpu.memory_space<vmem>>
    %dma_start3A_177 = arith.constant 0 : i32
    %dma_start3A_178 = arith.constant 0 : i32
    %dma_start3A_179 = tpu.memref_slice %arg5[%dma_start3A_177, %dma_start3A_178] : memref<1000000x16xf32, #tpu.memory_space<hbm>> -> memref<1000000x16xf32, #tpu.memory_space<hbm>>
    tpu.enqueue_indirect_dma source(%dma_start3A_179 : memref<1000000x16xf32, #tpu.memory_space<hbm>>) target(%dma_start3A_174 : memref<128x16xf32, #tpu.memory_space<vmem>>) offsets(%dma_start3A_176 : memref<128xi32, #tpu.memory_space<vmem>>) semaphore(%arg12 : memref<!tpu.dma_semaphore, #tpu.memory_space<semaphore_mem>>)
    %dma_start3A_180 = arith.constant 2304 : i32
    %dma_start3A_181 = arith.constant 0 : i32
    %dma_start3A_182 = tpu.memref_slice %arg10[%dma_start3A_180, %dma_start3A_181] : memref<2560x16xf32, #tpu.memory_space<vmem>> -> memref<128x16xf32, #tpu.memory_space<vmem>>
    %dma_start3A_183 = arith.constant 2304 : i32
    %dma_start3A_184 = tpu.memref_slice %arg8[%dma_start3A_183] : memref<2560xi32, #tpu.memory_space<vmem>> -> memref<128xi32, #tpu.memory_space<vmem>>
    %dma_start3A_185 = arith.constant 0 : i32
    %dma_start3A_186 = arith.constant 0 : i32
    %dma_start3A_187 = tpu.memref_slice %arg5[%dma_start3A_185, %dma_start3A_186] : memref<1000000x16xf32, #tpu.memory_space<hbm>> -> memref<1000000x16xf32, #tpu.memory_space<hbm>>
    tpu.enqueue_indirect_dma source(%dma_start3A_187 : memref<1000000x16xf32, #tpu.memory_space<hbm>>) target(%dma_start3A_182 : memref<128x16xf32, #tpu.memory_space<vmem>>) offsets(%dma_start3A_184 : memref<128xi32, #tpu.memory_space<vmem>>) semaphore(%arg12 : memref<!tpu.dma_semaphore, #tpu.memory_space<semaphore_mem>>)
    %dma_start3A_188 = arith.constant 2432 : i32
    %dma_start3A_189 = arith.constant 0 : i32
    %dma_start3A_190 = tpu.memref_slice %arg10[%dma_start3A_188, %dma_start3A_189] : memref<2560x16xf32, #tpu.memory_space<vmem>> -> memref<128x16xf32, #tpu.memory_space<vmem>>
    %dma_start3A_191 = arith.constant 2432 : i32
    %dma_start3A_192 = tpu.memref_slice %arg8[%dma_start3A_191] : memref<2560xi32, #tpu.memory_space<vmem>> -> memref<128xi32, #tpu.memory_space<vmem>>
    %dma_start3A_193 = arith.constant 0 : i32
    %dma_start3A_194 = arith.constant 0 : i32
    %dma_start3A_195 = tpu.memref_slice %arg5[%dma_start3A_193, %dma_start3A_194] : memref<1000000x16xf32, #tpu.memory_space<hbm>> -> memref<1000000x16xf32, #tpu.memory_space<hbm>>
    tpu.enqueue_indirect_dma source(%dma_start3A_195 : memref<1000000x16xf32, #tpu.memory_space<hbm>>) target(%dma_start3A_190 : memref<128x16xf32, #tpu.memory_space<vmem>>) offsets(%dma_start3A_192 : memref<128xi32, #tpu.memory_space<vmem>>) semaphore(%arg12 : memref<!tpu.dma_semaphore, #tpu.memory_space<semaphore_mem>>)
    %dma_wait3A = arith.constant 0 : i32
    %dma_wait3A_196 = arith.constant 0 : i32
    %dma_wait3A_197 = tpu.memref_slice %arg9[%dma_wait3A, %dma_wait3A_196] : memref<512x16xf32, #tpu.memory_space<vmem>> -> memref<128x16xf32, #tpu.memory_space<vmem>>
    %dma_wait3A_198 = arith.constant 0 : i32
    %dma_wait3A_199 = tpu.memref_slice %arg7[%dma_wait3A_198] : memref<512xi32, #tpu.memory_space<vmem>> -> memref<128xi32, #tpu.memory_space<vmem>>
    %dma_wait3A_200 = arith.constant 0 : i32
    %dma_wait3A_201 = arith.constant 0 : i32
    %dma_wait3A_202 = tpu.memref_slice %arg4[%dma_wait3A_200, %dma_wait3A_201] : memref<1000000x16xf32, #tpu.memory_space<hbm>> -> memref<1000000x16xf32, #tpu.memory_space<hbm>>
    tpu.wait_indirect_dma semaphore(%arg12 : memref<!tpu.dma_semaphore, #tpu.memory_space<semaphore_mem>>) src(%dma_wait3A_202 : memref<1000000x16xf32, #tpu.memory_space<hbm>>) dst(%dma_wait3A_197 : memref<128x16xf32, #tpu.memory_space<vmem>>)
    %dma_wait3A_203 = arith.constant 128 : i32
    %dma_wait3A_204 = arith.constant 0 : i32
    %dma_wait3A_205 = tpu.memref_slice %arg9[%dma_wait3A_203, %dma_wait3A_204] : memref<512x16xf32, #tpu.memory_space<vmem>> -> memref<128x16xf32, #tpu.memory_space<vmem>>
    %dma_wait3A_206 = arith.constant 128 : i32
    %dma_wait3A_207 = tpu.memref_slice %arg7[%dma_wait3A_206] : memref<512xi32, #tpu.memory_space<vmem>> -> memref<128xi32, #tpu.memory_space<vmem>>
    %dma_wait3A_208 = arith.constant 0 : i32
    %dma_wait3A_209 = arith.constant 0 : i32
    %dma_wait3A_210 = tpu.memref_slice %arg4[%dma_wait3A_208, %dma_wait3A_209] : memref<1000000x16xf32, #tpu.memory_space<hbm>> -> memref<1000000x16xf32, #tpu.memory_space<hbm>>
    tpu.wait_indirect_dma semaphore(%arg12 : memref<!tpu.dma_semaphore, #tpu.memory_space<semaphore_mem>>) src(%dma_wait3A_210 : memref<1000000x16xf32, #tpu.memory_space<hbm>>) dst(%dma_wait3A_205 : memref<128x16xf32, #tpu.memory_space<vmem>>)
    %dma_wait3A_211 = arith.constant 256 : i32
    %dma_wait3A_212 = arith.constant 0 : i32
    %dma_wait3A_213 = tpu.memref_slice %arg9[%dma_wait3A_211, %dma_wait3A_212] : memref<512x16xf32, #tpu.memory_space<vmem>> -> memref<128x16xf32, #tpu.memory_space<vmem>>
    %dma_wait3A_214 = arith.constant 256 : i32
    %dma_wait3A_215 = tpu.memref_slice %arg7[%dma_wait3A_214] : memref<512xi32, #tpu.memory_space<vmem>> -> memref<128xi32, #tpu.memory_space<vmem>>
    %dma_wait3A_216 = arith.constant 0 : i32
    %dma_wait3A_217 = arith.constant 0 : i32
    %dma_wait3A_218 = tpu.memref_slice %arg4[%dma_wait3A_216, %dma_wait3A_217] : memref<1000000x16xf32, #tpu.memory_space<hbm>> -> memref<1000000x16xf32, #tpu.memory_space<hbm>>
    tpu.wait_indirect_dma semaphore(%arg12 : memref<!tpu.dma_semaphore, #tpu.memory_space<semaphore_mem>>) src(%dma_wait3A_218 : memref<1000000x16xf32, #tpu.memory_space<hbm>>) dst(%dma_wait3A_213 : memref<128x16xf32, #tpu.memory_space<vmem>>)
    %dma_wait3A_219 = arith.constant 384 : i32
    %dma_wait3A_220 = arith.constant 0 : i32
    %dma_wait3A_221 = tpu.memref_slice %arg9[%dma_wait3A_219, %dma_wait3A_220] : memref<512x16xf32, #tpu.memory_space<vmem>> -> memref<128x16xf32, #tpu.memory_space<vmem>>
    %dma_wait3A_222 = arith.constant 384 : i32
    %dma_wait3A_223 = tpu.memref_slice %arg7[%dma_wait3A_222] : memref<512xi32, #tpu.memory_space<vmem>> -> memref<128xi32, #tpu.memory_space<vmem>>
    %dma_wait3A_224 = arith.constant 0 : i32
    %dma_wait3A_225 = arith.constant 0 : i32
    %dma_wait3A_226 = tpu.memref_slice %arg4[%dma_wait3A_224, %dma_wait3A_225] : memref<1000000x16xf32, #tpu.memory_space<hbm>> -> memref<1000000x16xf32, #tpu.memory_space<hbm>>
    tpu.wait_indirect_dma semaphore(%arg12 : memref<!tpu.dma_semaphore, #tpu.memory_space<semaphore_mem>>) src(%dma_wait3A_226 : memref<1000000x16xf32, #tpu.memory_space<hbm>>) dst(%dma_wait3A_221 : memref<128x16xf32, #tpu.memory_space<vmem>>)
    %dma_wait3A_227 = arith.constant 0 : i32
    %dma_wait3A_228 = arith.constant 0 : i32
    %dma_wait3A_229 = tpu.memref_slice %arg10[%dma_wait3A_227, %dma_wait3A_228] : memref<2560x16xf32, #tpu.memory_space<vmem>> -> memref<128x16xf32, #tpu.memory_space<vmem>>
    %dma_wait3A_230 = arith.constant 0 : i32
    %dma_wait3A_231 = tpu.memref_slice %arg8[%dma_wait3A_230] : memref<2560xi32, #tpu.memory_space<vmem>> -> memref<128xi32, #tpu.memory_space<vmem>>
    %dma_wait3A_232 = arith.constant 0 : i32
    %dma_wait3A_233 = arith.constant 0 : i32
    %dma_wait3A_234 = tpu.memref_slice %arg5[%dma_wait3A_232, %dma_wait3A_233] : memref<1000000x16xf32, #tpu.memory_space<hbm>> -> memref<1000000x16xf32, #tpu.memory_space<hbm>>
    tpu.wait_indirect_dma semaphore(%arg12 : memref<!tpu.dma_semaphore, #tpu.memory_space<semaphore_mem>>) src(%dma_wait3A_234 : memref<1000000x16xf32, #tpu.memory_space<hbm>>) dst(%dma_wait3A_229 : memref<128x16xf32, #tpu.memory_space<vmem>>)
    %dma_wait3A_235 = arith.constant 128 : i32
    %dma_wait3A_236 = arith.constant 0 : i32
    %dma_wait3A_237 = tpu.memref_slice %arg10[%dma_wait3A_235, %dma_wait3A_236] : memref<2560x16xf32, #tpu.memory_space<vmem>> -> memref<128x16xf32, #tpu.memory_space<vmem>>
    %dma_wait3A_238 = arith.constant 128 : i32
    %dma_wait3A_239 = tpu.memref_slice %arg8[%dma_wait3A_238] : memref<2560xi32, #tpu.memory_space<vmem>> -> memref<128xi32, #tpu.memory_space<vmem>>
    %dma_wait3A_240 = arith.constant 0 : i32
    %dma_wait3A_241 = arith.constant 0 : i32
    %dma_wait3A_242 = tpu.memref_slice %arg5[%dma_wait3A_240, %dma_wait3A_241] : memref<1000000x16xf32, #tpu.memory_space<hbm>> -> memref<1000000x16xf32, #tpu.memory_space<hbm>>
    tpu.wait_indirect_dma semaphore(%arg12 : memref<!tpu.dma_semaphore, #tpu.memory_space<semaphore_mem>>) src(%dma_wait3A_242 : memref<1000000x16xf32, #tpu.memory_space<hbm>>) dst(%dma_wait3A_237 : memref<128x16xf32, #tpu.memory_space<vmem>>)
    %dma_wait3A_243 = arith.constant 256 : i32
    %dma_wait3A_244 = arith.constant 0 : i32
    %dma_wait3A_245 = tpu.memref_slice %arg10[%dma_wait3A_243, %dma_wait3A_244] : memref<2560x16xf32, #tpu.memory_space<vmem>> -> memref<128x16xf32, #tpu.memory_space<vmem>>
    %dma_wait3A_246 = arith.constant 256 : i32
    %dma_wait3A_247 = tpu.memref_slice %arg8[%dma_wait3A_246] : memref<2560xi32, #tpu.memory_space<vmem>> -> memref<128xi32, #tpu.memory_space<vmem>>
    %dma_wait3A_248 = arith.constant 0 : i32
    %dma_wait3A_249 = arith.constant 0 : i32
    %dma_wait3A_250 = tpu.memref_slice %arg5[%dma_wait3A_248, %dma_wait3A_249] : memref<1000000x16xf32, #tpu.memory_space<hbm>> -> memref<1000000x16xf32, #tpu.memory_space<hbm>>
    tpu.wait_indirect_dma semaphore(%arg12 : memref<!tpu.dma_semaphore, #tpu.memory_space<semaphore_mem>>) src(%dma_wait3A_250 : memref<1000000x16xf32, #tpu.memory_space<hbm>>) dst(%dma_wait3A_245 : memref<128x16xf32, #tpu.memory_space<vmem>>)
    %dma_wait3A_251 = arith.constant 384 : i32
    %dma_wait3A_252 = arith.constant 0 : i32
    %dma_wait3A_253 = tpu.memref_slice %arg10[%dma_wait3A_251, %dma_wait3A_252] : memref<2560x16xf32, #tpu.memory_space<vmem>> -> memref<128x16xf32, #tpu.memory_space<vmem>>
    %dma_wait3A_254 = arith.constant 384 : i32
    %dma_wait3A_255 = tpu.memref_slice %arg8[%dma_wait3A_254] : memref<2560xi32, #tpu.memory_space<vmem>> -> memref<128xi32, #tpu.memory_space<vmem>>
    %dma_wait3A_256 = arith.constant 0 : i32
    %dma_wait3A_257 = arith.constant 0 : i32
    %dma_wait3A_258 = tpu.memref_slice %arg5[%dma_wait3A_256, %dma_wait3A_257] : memref<1000000x16xf32, #tpu.memory_space<hbm>> -> memref<1000000x16xf32, #tpu.memory_space<hbm>>
    tpu.wait_indirect_dma semaphore(%arg12 : memref<!tpu.dma_semaphore, #tpu.memory_space<semaphore_mem>>) src(%dma_wait3A_258 : memref<1000000x16xf32, #tpu.memory_space<hbm>>) dst(%dma_wait3A_253 : memref<128x16xf32, #tpu.memory_space<vmem>>)
    %dma_wait3A_259 = arith.constant 512 : i32
    %dma_wait3A_260 = arith.constant 0 : i32
    %dma_wait3A_261 = tpu.memref_slice %arg10[%dma_wait3A_259, %dma_wait3A_260] : memref<2560x16xf32, #tpu.memory_space<vmem>> -> memref<128x16xf32, #tpu.memory_space<vmem>>
    %dma_wait3A_262 = arith.constant 512 : i32
    %dma_wait3A_263 = tpu.memref_slice %arg8[%dma_wait3A_262] : memref<2560xi32, #tpu.memory_space<vmem>> -> memref<128xi32, #tpu.memory_space<vmem>>
    %dma_wait3A_264 = arith.constant 0 : i32
    %dma_wait3A_265 = arith.constant 0 : i32
    %dma_wait3A_266 = tpu.memref_slice %arg5[%dma_wait3A_264, %dma_wait3A_265] : memref<1000000x16xf32, #tpu.memory_space<hbm>> -> memref<1000000x16xf32, #tpu.memory_space<hbm>>
    tpu.wait_indirect_dma semaphore(%arg12 : memref<!tpu.dma_semaphore, #tpu.memory_space<semaphore_mem>>) src(%dma_wait3A_266 : memref<1000000x16xf32, #tpu.memory_space<hbm>>) dst(%dma_wait3A_261 : memref<128x16xf32, #tpu.memory_space<vmem>>)
    %dma_wait3A_267 = arith.constant 640 : i32
    %dma_wait3A_268 = arith.constant 0 : i32
    %dma_wait3A_269 = tpu.memref_slice %arg10[%dma_wait3A_267, %dma_wait3A_268] : memref<2560x16xf32, #tpu.memory_space<vmem>> -> memref<128x16xf32, #tpu.memory_space<vmem>>
    %dma_wait3A_270 = arith.constant 640 : i32
    %dma_wait3A_271 = tpu.memref_slice %arg8[%dma_wait3A_270] : memref<2560xi32, #tpu.memory_space<vmem>> -> memref<128xi32, #tpu.memory_space<vmem>>
    %dma_wait3A_272 = arith.constant 0 : i32
    %dma_wait3A_273 = arith.constant 0 : i32
    %dma_wait3A_274 = tpu.memref_slice %arg5[%dma_wait3A_272, %dma_wait3A_273] : memref<1000000x16xf32, #tpu.memory_space<hbm>> -> memref<1000000x16xf32, #tpu.memory_space<hbm>>
    tpu.wait_indirect_dma semaphore(%arg12 : memref<!tpu.dma_semaphore, #tpu.memory_space<semaphore_mem>>) src(%dma_wait3A_274 : memref<1000000x16xf32, #tpu.memory_space<hbm>>) dst(%dma_wait3A_269 : memref<128x16xf32, #tpu.memory_space<vmem>>)
    %dma_wait3A_275 = arith.constant 768 : i32
    %dma_wait3A_276 = arith.constant 0 : i32
    %dma_wait3A_277 = tpu.memref_slice %arg10[%dma_wait3A_275, %dma_wait3A_276] : memref<2560x16xf32, #tpu.memory_space<vmem>> -> memref<128x16xf32, #tpu.memory_space<vmem>>
    %dma_wait3A_278 = arith.constant 768 : i32
    %dma_wait3A_279 = tpu.memref_slice %arg8[%dma_wait3A_278] : memref<2560xi32, #tpu.memory_space<vmem>> -> memref<128xi32, #tpu.memory_space<vmem>>
    %dma_wait3A_280 = arith.constant 0 : i32
    %dma_wait3A_281 = arith.constant 0 : i32
    %dma_wait3A_282 = tpu.memref_slice %arg5[%dma_wait3A_280, %dma_wait3A_281] : memref<1000000x16xf32, #tpu.memory_space<hbm>> -> memref<1000000x16xf32, #tpu.memory_space<hbm>>
    tpu.wait_indirect_dma semaphore(%arg12 : memref<!tpu.dma_semaphore, #tpu.memory_space<semaphore_mem>>) src(%dma_wait3A_282 : memref<1000000x16xf32, #tpu.memory_space<hbm>>) dst(%dma_wait3A_277 : memref<128x16xf32, #tpu.memory_space<vmem>>)
    %dma_wait3A_283 = arith.constant 896 : i32
    %dma_wait3A_284 = arith.constant 0 : i32
    %dma_wait3A_285 = tpu.memref_slice %arg10[%dma_wait3A_283, %dma_wait3A_284] : memref<2560x16xf32, #tpu.memory_space<vmem>> -> memref<128x16xf32, #tpu.memory_space<vmem>>
    %dma_wait3A_286 = arith.constant 896 : i32
    %dma_wait3A_287 = tpu.memref_slice %arg8[%dma_wait3A_286] : memref<2560xi32, #tpu.memory_space<vmem>> -> memref<128xi32, #tpu.memory_space<vmem>>
    %dma_wait3A_288 = arith.constant 0 : i32
    %dma_wait3A_289 = arith.constant 0 : i32
    %dma_wait3A_290 = tpu.memref_slice %arg5[%dma_wait3A_288, %dma_wait3A_289] : memref<1000000x16xf32, #tpu.memory_space<hbm>> -> memref<1000000x16xf32, #tpu.memory_space<hbm>>
    tpu.wait_indirect_dma semaphore(%arg12 : memref<!tpu.dma_semaphore, #tpu.memory_space<semaphore_mem>>) src(%dma_wait3A_290 : memref<1000000x16xf32, #tpu.memory_space<hbm>>) dst(%dma_wait3A_285 : memref<128x16xf32, #tpu.memory_space<vmem>>)
    %dma_wait3A_291 = arith.constant 1024 : i32
    %dma_wait3A_292 = arith.constant 0 : i32
    %dma_wait3A_293 = tpu.memref_slice %arg10[%dma_wait3A_291, %dma_wait3A_292] : memref<2560x16xf32, #tpu.memory_space<vmem>> -> memref<128x16xf32, #tpu.memory_space<vmem>>
    %dma_wait3A_294 = arith.constant 1024 : i32
    %dma_wait3A_295 = tpu.memref_slice %arg8[%dma_wait3A_294] : memref<2560xi32, #tpu.memory_space<vmem>> -> memref<128xi32, #tpu.memory_space<vmem>>
    %dma_wait3A_296 = arith.constant 0 : i32
    %dma_wait3A_297 = arith.constant 0 : i32
    %dma_wait3A_298 = tpu.memref_slice %arg5[%dma_wait3A_296, %dma_wait3A_297] : memref<1000000x16xf32, #tpu.memory_space<hbm>> -> memref<1000000x16xf32, #tpu.memory_space<hbm>>
    tpu.wait_indirect_dma semaphore(%arg12 : memref<!tpu.dma_semaphore, #tpu.memory_space<semaphore_mem>>) src(%dma_wait3A_298 : memref<1000000x16xf32, #tpu.memory_space<hbm>>) dst(%dma_wait3A_293 : memref<128x16xf32, #tpu.memory_space<vmem>>)
    %dma_wait3A_299 = arith.constant 1152 : i32
    %dma_wait3A_300 = arith.constant 0 : i32
    %dma_wait3A_301 = tpu.memref_slice %arg10[%dma_wait3A_299, %dma_wait3A_300] : memref<2560x16xf32, #tpu.memory_space<vmem>> -> memref<128x16xf32, #tpu.memory_space<vmem>>
    %dma_wait3A_302 = arith.constant 1152 : i32
    %dma_wait3A_303 = tpu.memref_slice %arg8[%dma_wait3A_302] : memref<2560xi32, #tpu.memory_space<vmem>> -> memref<128xi32, #tpu.memory_space<vmem>>
    %dma_wait3A_304 = arith.constant 0 : i32
    %dma_wait3A_305 = arith.constant 0 : i32
    %dma_wait3A_306 = tpu.memref_slice %arg5[%dma_wait3A_304, %dma_wait3A_305] : memref<1000000x16xf32, #tpu.memory_space<hbm>> -> memref<1000000x16xf32, #tpu.memory_space<hbm>>
    tpu.wait_indirect_dma semaphore(%arg12 : memref<!tpu.dma_semaphore, #tpu.memory_space<semaphore_mem>>) src(%dma_wait3A_306 : memref<1000000x16xf32, #tpu.memory_space<hbm>>) dst(%dma_wait3A_301 : memref<128x16xf32, #tpu.memory_space<vmem>>)
    %dma_wait3A_307 = arith.constant 1280 : i32
    %dma_wait3A_308 = arith.constant 0 : i32
    %dma_wait3A_309 = tpu.memref_slice %arg10[%dma_wait3A_307, %dma_wait3A_308] : memref<2560x16xf32, #tpu.memory_space<vmem>> -> memref<128x16xf32, #tpu.memory_space<vmem>>
    %dma_wait3A_310 = arith.constant 1280 : i32
    %dma_wait3A_311 = tpu.memref_slice %arg8[%dma_wait3A_310] : memref<2560xi32, #tpu.memory_space<vmem>> -> memref<128xi32, #tpu.memory_space<vmem>>
    %dma_wait3A_312 = arith.constant 0 : i32
    %dma_wait3A_313 = arith.constant 0 : i32
    %dma_wait3A_314 = tpu.memref_slice %arg5[%dma_wait3A_312, %dma_wait3A_313] : memref<1000000x16xf32, #tpu.memory_space<hbm>> -> memref<1000000x16xf32, #tpu.memory_space<hbm>>
    tpu.wait_indirect_dma semaphore(%arg12 : memref<!tpu.dma_semaphore, #tpu.memory_space<semaphore_mem>>) src(%dma_wait3A_314 : memref<1000000x16xf32, #tpu.memory_space<hbm>>) dst(%dma_wait3A_309 : memref<128x16xf32, #tpu.memory_space<vmem>>)
    %dma_wait3A_315 = arith.constant 1408 : i32
    %dma_wait3A_316 = arith.constant 0 : i32
    %dma_wait3A_317 = tpu.memref_slice %arg10[%dma_wait3A_315, %dma_wait3A_316] : memref<2560x16xf32, #tpu.memory_space<vmem>> -> memref<128x16xf32, #tpu.memory_space<vmem>>
    %dma_wait3A_318 = arith.constant 1408 : i32
    %dma_wait3A_319 = tpu.memref_slice %arg8[%dma_wait3A_318] : memref<2560xi32, #tpu.memory_space<vmem>> -> memref<128xi32, #tpu.memory_space<vmem>>
    %dma_wait3A_320 = arith.constant 0 : i32
    %dma_wait3A_321 = arith.constant 0 : i32
    %dma_wait3A_322 = tpu.memref_slice %arg5[%dma_wait3A_320, %dma_wait3A_321] : memref<1000000x16xf32, #tpu.memory_space<hbm>> -> memref<1000000x16xf32, #tpu.memory_space<hbm>>
    tpu.wait_indirect_dma semaphore(%arg12 : memref<!tpu.dma_semaphore, #tpu.memory_space<semaphore_mem>>) src(%dma_wait3A_322 : memref<1000000x16xf32, #tpu.memory_space<hbm>>) dst(%dma_wait3A_317 : memref<128x16xf32, #tpu.memory_space<vmem>>)
    %dma_wait3A_323 = arith.constant 1536 : i32
    %dma_wait3A_324 = arith.constant 0 : i32
    %dma_wait3A_325 = tpu.memref_slice %arg10[%dma_wait3A_323, %dma_wait3A_324] : memref<2560x16xf32, #tpu.memory_space<vmem>> -> memref<128x16xf32, #tpu.memory_space<vmem>>
    %dma_wait3A_326 = arith.constant 1536 : i32
    %dma_wait3A_327 = tpu.memref_slice %arg8[%dma_wait3A_326] : memref<2560xi32, #tpu.memory_space<vmem>> -> memref<128xi32, #tpu.memory_space<vmem>>
    %dma_wait3A_328 = arith.constant 0 : i32
    %dma_wait3A_329 = arith.constant 0 : i32
    %dma_wait3A_330 = tpu.memref_slice %arg5[%dma_wait3A_328, %dma_wait3A_329] : memref<1000000x16xf32, #tpu.memory_space<hbm>> -> memref<1000000x16xf32, #tpu.memory_space<hbm>>
    tpu.wait_indirect_dma semaphore(%arg12 : memref<!tpu.dma_semaphore, #tpu.memory_space<semaphore_mem>>) src(%dma_wait3A_330 : memref<1000000x16xf32, #tpu.memory_space<hbm>>) dst(%dma_wait3A_325 : memref<128x16xf32, #tpu.memory_space<vmem>>)
    %dma_wait3A_331 = arith.constant 1664 : i32
    %dma_wait3A_332 = arith.constant 0 : i32
    %dma_wait3A_333 = tpu.memref_slice %arg10[%dma_wait3A_331, %dma_wait3A_332] : memref<2560x16xf32, #tpu.memory_space<vmem>> -> memref<128x16xf32, #tpu.memory_space<vmem>>
    %dma_wait3A_334 = arith.constant 1664 : i32
    %dma_wait3A_335 = tpu.memref_slice %arg8[%dma_wait3A_334] : memref<2560xi32, #tpu.memory_space<vmem>> -> memref<128xi32, #tpu.memory_space<vmem>>
    %dma_wait3A_336 = arith.constant 0 : i32
    %dma_wait3A_337 = arith.constant 0 : i32
    %dma_wait3A_338 = tpu.memref_slice %arg5[%dma_wait3A_336, %dma_wait3A_337] : memref<1000000x16xf32, #tpu.memory_space<hbm>> -> memref<1000000x16xf32, #tpu.memory_space<hbm>>
    tpu.wait_indirect_dma semaphore(%arg12 : memref<!tpu.dma_semaphore, #tpu.memory_space<semaphore_mem>>) src(%dma_wait3A_338 : memref<1000000x16xf32, #tpu.memory_space<hbm>>) dst(%dma_wait3A_333 : memref<128x16xf32, #tpu.memory_space<vmem>>)
    %dma_wait3A_339 = arith.constant 1792 : i32
    %dma_wait3A_340 = arith.constant 0 : i32
    %dma_wait3A_341 = tpu.memref_slice %arg10[%dma_wait3A_339, %dma_wait3A_340] : memref<2560x16xf32, #tpu.memory_space<vmem>> -> memref<128x16xf32, #tpu.memory_space<vmem>>
    %dma_wait3A_342 = arith.constant 1792 : i32
    %dma_wait3A_343 = tpu.memref_slice %arg8[%dma_wait3A_342] : memref<2560xi32, #tpu.memory_space<vmem>> -> memref<128xi32, #tpu.memory_space<vmem>>
    %dma_wait3A_344 = arith.constant 0 : i32
    %dma_wait3A_345 = arith.constant 0 : i32
    %dma_wait3A_346 = tpu.memref_slice %arg5[%dma_wait3A_344, %dma_wait3A_345] : memref<1000000x16xf32, #tpu.memory_space<hbm>> -> memref<1000000x16xf32, #tpu.memory_space<hbm>>
    tpu.wait_indirect_dma semaphore(%arg12 : memref<!tpu.dma_semaphore, #tpu.memory_space<semaphore_mem>>) src(%dma_wait3A_346 : memref<1000000x16xf32, #tpu.memory_space<hbm>>) dst(%dma_wait3A_341 : memref<128x16xf32, #tpu.memory_space<vmem>>)
    %dma_wait3A_347 = arith.constant 1920 : i32
    %dma_wait3A_348 = arith.constant 0 : i32
    %dma_wait3A_349 = tpu.memref_slice %arg10[%dma_wait3A_347, %dma_wait3A_348] : memref<2560x16xf32, #tpu.memory_space<vmem>> -> memref<128x16xf32, #tpu.memory_space<vmem>>
    %dma_wait3A_350 = arith.constant 1920 : i32
    %dma_wait3A_351 = tpu.memref_slice %arg8[%dma_wait3A_350] : memref<2560xi32, #tpu.memory_space<vmem>> -> memref<128xi32, #tpu.memory_space<vmem>>
    %dma_wait3A_352 = arith.constant 0 : i32
    %dma_wait3A_353 = arith.constant 0 : i32
    %dma_wait3A_354 = tpu.memref_slice %arg5[%dma_wait3A_352, %dma_wait3A_353] : memref<1000000x16xf32, #tpu.memory_space<hbm>> -> memref<1000000x16xf32, #tpu.memory_space<hbm>>
    tpu.wait_indirect_dma semaphore(%arg12 : memref<!tpu.dma_semaphore, #tpu.memory_space<semaphore_mem>>) src(%dma_wait3A_354 : memref<1000000x16xf32, #tpu.memory_space<hbm>>) dst(%dma_wait3A_349 : memref<128x16xf32, #tpu.memory_space<vmem>>)
    %dma_wait3A_355 = arith.constant 2048 : i32
    %dma_wait3A_356 = arith.constant 0 : i32
    %dma_wait3A_357 = tpu.memref_slice %arg10[%dma_wait3A_355, %dma_wait3A_356] : memref<2560x16xf32, #tpu.memory_space<vmem>> -> memref<128x16xf32, #tpu.memory_space<vmem>>
    %dma_wait3A_358 = arith.constant 2048 : i32
    %dma_wait3A_359 = tpu.memref_slice %arg8[%dma_wait3A_358] : memref<2560xi32, #tpu.memory_space<vmem>> -> memref<128xi32, #tpu.memory_space<vmem>>
    %dma_wait3A_360 = arith.constant 0 : i32
    %dma_wait3A_361 = arith.constant 0 : i32
    %dma_wait3A_362 = tpu.memref_slice %arg5[%dma_wait3A_360, %dma_wait3A_361] : memref<1000000x16xf32, #tpu.memory_space<hbm>> -> memref<1000000x16xf32, #tpu.memory_space<hbm>>
    tpu.wait_indirect_dma semaphore(%arg12 : memref<!tpu.dma_semaphore, #tpu.memory_space<semaphore_mem>>) src(%dma_wait3A_362 : memref<1000000x16xf32, #tpu.memory_space<hbm>>) dst(%dma_wait3A_357 : memref<128x16xf32, #tpu.memory_space<vmem>>)
    %dma_wait3A_363 = arith.constant 2176 : i32
    %dma_wait3A_364 = arith.constant 0 : i32
    %dma_wait3A_365 = tpu.memref_slice %arg10[%dma_wait3A_363, %dma_wait3A_364] : memref<2560x16xf32, #tpu.memory_space<vmem>> -> memref<128x16xf32, #tpu.memory_space<vmem>>
    %dma_wait3A_366 = arith.constant 2176 : i32
    %dma_wait3A_367 = tpu.memref_slice %arg8[%dma_wait3A_366] : memref<2560xi32, #tpu.memory_space<vmem>> -> memref<128xi32, #tpu.memory_space<vmem>>
    %dma_wait3A_368 = arith.constant 0 : i32
    %dma_wait3A_369 = arith.constant 0 : i32
    %dma_wait3A_370 = tpu.memref_slice %arg5[%dma_wait3A_368, %dma_wait3A_369] : memref<1000000x16xf32, #tpu.memory_space<hbm>> -> memref<1000000x16xf32, #tpu.memory_space<hbm>>
    tpu.wait_indirect_dma semaphore(%arg12 : memref<!tpu.dma_semaphore, #tpu.memory_space<semaphore_mem>>) src(%dma_wait3A_370 : memref<1000000x16xf32, #tpu.memory_space<hbm>>) dst(%dma_wait3A_365 : memref<128x16xf32, #tpu.memory_space<vmem>>)
    %dma_wait3A_371 = arith.constant 2304 : i32
    %dma_wait3A_372 = arith.constant 0 : i32
    %dma_wait3A_373 = tpu.memref_slice %arg10[%dma_wait3A_371, %dma_wait3A_372] : memref<2560x16xf32, #tpu.memory_space<vmem>> -> memref<128x16xf32, #tpu.memory_space<vmem>>
    %dma_wait3A_374 = arith.constant 2304 : i32
    %dma_wait3A_375 = tpu.memref_slice %arg8[%dma_wait3A_374] : memref<2560xi32, #tpu.memory_space<vmem>> -> memref<128xi32, #tpu.memory_space<vmem>>
    %dma_wait3A_376 = arith.constant 0 : i32
    %dma_wait3A_377 = arith.constant 0 : i32
    %dma_wait3A_378 = tpu.memref_slice %arg5[%dma_wait3A_376, %dma_wait3A_377] : memref<1000000x16xf32, #tpu.memory_space<hbm>> -> memref<1000000x16xf32, #tpu.memory_space<hbm>>
    tpu.wait_indirect_dma semaphore(%arg12 : memref<!tpu.dma_semaphore, #tpu.memory_space<semaphore_mem>>) src(%dma_wait3A_378 : memref<1000000x16xf32, #tpu.memory_space<hbm>>) dst(%dma_wait3A_373 : memref<128x16xf32, #tpu.memory_space<vmem>>)
    %dma_wait3A_379 = arith.constant 2432 : i32
    %dma_wait3A_380 = arith.constant 0 : i32
    %dma_wait3A_381 = tpu.memref_slice %arg10[%dma_wait3A_379, %dma_wait3A_380] : memref<2560x16xf32, #tpu.memory_space<vmem>> -> memref<128x16xf32, #tpu.memory_space<vmem>>
    %dma_wait3A_382 = arith.constant 2432 : i32
    %dma_wait3A_383 = tpu.memref_slice %arg8[%dma_wait3A_382] : memref<2560xi32, #tpu.memory_space<vmem>> -> memref<128xi32, #tpu.memory_space<vmem>>
    %dma_wait3A_384 = arith.constant 0 : i32
    %dma_wait3A_385 = arith.constant 0 : i32
    %dma_wait3A_386 = tpu.memref_slice %arg5[%dma_wait3A_384, %dma_wait3A_385] : memref<1000000x16xf32, #tpu.memory_space<hbm>> -> memref<1000000x16xf32, #tpu.memory_space<hbm>>
    tpu.wait_indirect_dma semaphore(%arg12 : memref<!tpu.dma_semaphore, #tpu.memory_space<semaphore_mem>>) src(%dma_wait3A_386 : memref<1000000x16xf32, #tpu.memory_space<hbm>>) dst(%dma_wait3A_381 : memref<128x16xf32, #tpu.memory_space<vmem>>)
    %iota3A = tpu.iota {dimensions = array<i32: 0>} : vector<16xi32>
    %scan3A = arith.constant 0 : i32
    %scan3A_387 = arith.constant 0 : i32
    %scan3A_388 = arith.constant 160 : i32
    %scan3A_389 = arith.addi %scan3A_387, %scan3A_388 : i32
    %scan3A_390 = arith.constant 1 : i32
    scf.for %scan3A_392 = %scan3A_387 to %scan3A_389 step %scan3A_390  : i32 {
      %mul3A_393 = arith.constant 16 : i32
      %mul3A_394 = arith.muli %scan3A_392, %mul3A_393 : i32
      %add3A_395 = vector.broadcast %mul3A_394 : i32 to vector<16xi32>
      %add3A_396 = arith.addi %iota3A, %add3A_395 : vector<16xi32>
      %div3A = arith.constant 5 : i32
      %div3A_397 = vector.broadcast %div3A : i32 to vector<16xi32>
      %div3A_398 = arith.divsi %add3A_396, %div3A_397 : vector<16xi32>
      %broadcast_in_dim3A = arith.constant 0.000000e+00 : f32
      %broadcast_in_dim3A_399 = vector.broadcast %broadcast_in_dim3A : f32 to vector<16xf32>
      %broadcast_in_dim3A_400 = arith.constant 0 : i32
      %broadcast_in_dim3A_401 = vector.broadcast %broadcast_in_dim3A_400 : i32 to vector<16xi32>
      %gather3A = tpu.vector_load_idx %arg10[%add3A_396, %broadcast_in_dim3A_401] : memref<2560x16xf32, #tpu.memory_space<vmem>>[vector<16xi32>, vector<16xi32>], vector<16xf32>,
      %gather3A_402 = tpu.vector_load_idx %arg9[%div3A_398, %broadcast_in_dim3A_401] : memref<512x16xf32, #tpu.memory_space<vmem>>[vector<16xi32>, vector<16xi32>], vector<16xf32>,
      %mul3A_403 = arith.mulf %gather3A, %gather3A_402 : vector<16xf32>
      %add3A_404 = arith.addf %broadcast_in_dim3A_399, %mul3A_403 : vector<16xf32>
      %broadcast_in_dim3A_405 = arith.constant 1 : i32
      %broadcast_in_dim3A_406 = vector.broadcast %broadcast_in_dim3A_405 : i32 to vector<16xi32>
      %gather3A_407 = tpu.vector_load_idx %arg10[%add3A_396, %broadcast_in_dim3A_406] : memref<2560x16xf32, #tpu.memory_space<vmem>>[vector<16xi32>, vector<16xi32>], vector<16xf32>,
      %gather3A_408 = tpu.vector_load_idx %arg9[%div3A_398, %broadcast_in_dim3A_406] : memref<512x16xf32, #tpu.memory_space<vmem>>[vector<16xi32>, vector<16xi32>], vector<16xf32>,
      %mul3A_409 = arith.mulf %gather3A_407, %gather3A_408 : vector<16xf32>
      %add3A_410 = arith.addf %add3A_404, %mul3A_409 : vector<16xf32>
      %broadcast_in_dim3A_411 = arith.constant 2 : i32
      %broadcast_in_dim3A_412 = vector.broadcast %broadcast_in_dim3A_411 : i32 to vector<16xi32>
      %gather3A_413 = tpu.vector_load_idx %arg10[%add3A_396, %broadcast_in_dim3A_412] : memref<2560x16xf32, #tpu.memory_space<vmem>>[vector<16xi32>, vector<16xi32>], vector<16xf32>,
      %gather3A_414 = tpu.vector_load_idx %arg9[%div3A_398, %broadcast_in_dim3A_412] : memref<512x16xf32, #tpu.memory_space<vmem>>[vector<16xi32>, vector<16xi32>], vector<16xf32>,
      %mul3A_415 = arith.mulf %gather3A_413, %gather3A_414 : vector<16xf32>
      %add3A_416 = arith.addf %add3A_410, %mul3A_415 : vector<16xf32>
      %broadcast_in_dim3A_417 = arith.constant 3 : i32
      %broadcast_in_dim3A_418 = vector.broadcast %broadcast_in_dim3A_417 : i32 to vector<16xi32>
      %gather3A_419 = tpu.vector_load_idx %arg10[%add3A_396, %broadcast_in_dim3A_418] : memref<2560x16xf32, #tpu.memory_space<vmem>>[vector<16xi32>, vector<16xi32>], vector<16xf32>,
      %gather3A_420 = tpu.vector_load_idx %arg9[%div3A_398, %broadcast_in_dim3A_418] : memref<512x16xf32, #tpu.memory_space<vmem>>[vector<16xi32>, vector<16xi32>], vector<16xf32>,
      %mul3A_421 = arith.mulf %gather3A_419, %gather3A_420 : vector<16xf32>
      %add3A_422 = arith.addf %add3A_416, %mul3A_421 : vector<16xf32>
      %broadcast_in_dim3A_423 = arith.constant 4 : i32
      %broadcast_in_dim3A_424 = vector.broadcast %broadcast_in_dim3A_423 : i32 to vector<16xi32>
      %gather3A_425 = tpu.vector_load_idx %arg10[%add3A_396, %broadcast_in_dim3A_424] : memref<2560x16xf32, #tpu.memory_space<vmem>>[vector<16xi32>, vector<16xi32>], vector<16xf32>,
      %gather3A_426 = tpu.vector_load_idx %arg9[%div3A_398, %broadcast_in_dim3A_424] : memref<512x16xf32, #tpu.memory_space<vmem>>[vector<16xi32>, vector<16xi32>], vector<16xf32>,
      %mul3A_427 = arith.mulf %gather3A_425, %gather3A_426 : vector<16xf32>
      %add3A_428 = arith.addf %add3A_422, %mul3A_427 : vector<16xf32>
      %broadcast_in_dim3A_429 = arith.constant 5 : i32
      %broadcast_in_dim3A_430 = vector.broadcast %broadcast_in_dim3A_429 : i32 to vector<16xi32>
      %gather3A_431 = tpu.vector_load_idx %arg10[%add3A_396, %broadcast_in_dim3A_430] : memref<2560x16xf32, #tpu.memory_space<vmem>>[vector<16xi32>, vector<16xi32>], vector<16xf32>,
      %gather3A_432 = tpu.vector_load_idx %arg9[%div3A_398, %broadcast_in_dim3A_430] : memref<512x16xf32, #tpu.memory_space<vmem>>[vector<16xi32>, vector<16xi32>], vector<16xf32>,
      %mul3A_433 = arith.mulf %gather3A_431, %gather3A_432 : vector<16xf32>
      %add3A_434 = arith.addf %add3A_428, %mul3A_433 : vector<16xf32>
      %broadcast_in_dim3A_435 = arith.constant 6 : i32
      %broadcast_in_dim3A_436 = vector.broadcast %broadcast_in_dim3A_435 : i32 to vector<16xi32>
      %gather3A_437 = tpu.vector_load_idx %arg10[%add3A_396, %broadcast_in_dim3A_436] : memref<2560x16xf32, #tpu.memory_space<vmem>>[vector<16xi32>, vector<16xi32>], vector<16xf32>,
      %gather3A_438 = tpu.vector_load_idx %arg9[%div3A_398, %broadcast_in_dim3A_436] : memref<512x16xf32, #tpu.memory_space<vmem>>[vector<16xi32>, vector<16xi32>], vector<16xf32>,
      %mul3A_439 = arith.mulf %gather3A_437, %gather3A_438 : vector<16xf32>
      %add3A_440 = arith.addf %add3A_434, %mul3A_439 : vector<16xf32>
      %broadcast_in_dim3A_441 = arith.constant 7 : i32
      %broadcast_in_dim3A_442 = vector.broadcast %broadcast_in_dim3A_441 : i32 to vector<16xi32>
      %gather3A_443 = tpu.vector_load_idx %arg10[%add3A_396, %broadcast_in_dim3A_442] : memref<2560x16xf32, #tpu.memory_space<vmem>>[vector<16xi32>, vector<16xi32>], vector<16xf32>,
      %gather3A_444 = tpu.vector_load_idx %arg9[%div3A_398, %broadcast_in_dim3A_442] : memref<512x16xf32, #tpu.memory_space<vmem>>[vector<16xi32>, vector<16xi32>], vector<16xf32>,
      %mul3A_445 = arith.mulf %gather3A_443, %gather3A_444 : vector<16xf32>
      %add3A_446 = arith.addf %add3A_440, %mul3A_445 : vector<16xf32>
      %broadcast_in_dim3A_447 = arith.constant 8 : i32
      %broadcast_in_dim3A_448 = vector.broadcast %broadcast_in_dim3A_447 : i32 to vector<16xi32>
      %gather3A_449 = tpu.vector_load_idx %arg10[%add3A_396, %broadcast_in_dim3A_448] : memref<2560x16xf32, #tpu.memory_space<vmem>>[vector<16xi32>, vector<16xi32>], vector<16xf32>,
      %gather3A_450 = tpu.vector_load_idx %arg9[%div3A_398, %broadcast_in_dim3A_448] : memref<512x16xf32, #tpu.memory_space<vmem>>[vector<16xi32>, vector<16xi32>], vector<16xf32>,
      %mul3A_451 = arith.mulf %gather3A_449, %gather3A_450 : vector<16xf32>
      %add3A_452 = arith.addf %add3A_446, %mul3A_451 : vector<16xf32>
      %broadcast_in_dim3A_453 = arith.constant 9 : i32
      %broadcast_in_dim3A_454 = vector.broadcast %broadcast_in_dim3A_453 : i32 to vector<16xi32>
      %gather3A_455 = tpu.vector_load_idx %arg10[%add3A_396, %broadcast_in_dim3A_454] : memref<2560x16xf32, #tpu.memory_space<vmem>>[vector<16xi32>, vector<16xi32>], vector<16xf32>,
      %gather3A_456 = tpu.vector_load_idx %arg9[%div3A_398, %broadcast_in_dim3A_454] : memref<512x16xf32, #tpu.memory_space<vmem>>[vector<16xi32>, vector<16xi32>], vector<16xf32>,
      %mul3A_457 = arith.mulf %gather3A_455, %gather3A_456 : vector<16xf32>
      %add3A_458 = arith.addf %add3A_452, %mul3A_457 : vector<16xf32>
      %broadcast_in_dim3A_459 = arith.constant 10 : i32
      %broadcast_in_dim3A_460 = vector.broadcast %broadcast_in_dim3A_459 : i32 to vector<16xi32>
      %gather3A_461 = tpu.vector_load_idx %arg10[%add3A_396, %broadcast_in_dim3A_460] : memref<2560x16xf32, #tpu.memory_space<vmem>>[vector<16xi32>, vector<16xi32>], vector<16xf32>,
      %gather3A_462 = tpu.vector_load_idx %arg9[%div3A_398, %broadcast_in_dim3A_460] : memref<512x16xf32, #tpu.memory_space<vmem>>[vector<16xi32>, vector<16xi32>], vector<16xf32>,
      %mul3A_463 = arith.mulf %gather3A_461, %gather3A_462 : vector<16xf32>
      %add3A_464 = arith.addf %add3A_458, %mul3A_463 : vector<16xf32>
      %broadcast_in_dim3A_465 = arith.constant 11 : i32
      %broadcast_in_dim3A_466 = vector.broadcast %broadcast_in_dim3A_465 : i32 to vector<16xi32>
      %gather3A_467 = tpu.vector_load_idx %arg10[%add3A_396, %broadcast_in_dim3A_466] : memref<2560x16xf32, #tpu.memory_space<vmem>>[vector<16xi32>, vector<16xi32>], vector<16xf32>,
      %gather3A_468 = tpu.vector_load_idx %arg9[%div3A_398, %broadcast_in_dim3A_466] : memref<512x16xf32, #tpu.memory_space<vmem>>[vector<16xi32>, vector<16xi32>], vector<16xf32>,
      %mul3A_469 = arith.mulf %gather3A_467, %gather3A_468 : vector<16xf32>
      %add3A_470 = arith.addf %add3A_464, %mul3A_469 : vector<16xf32>
      %broadcast_in_dim3A_471 = arith.constant 12 : i32
      %broadcast_in_dim3A_472 = vector.broadcast %broadcast_in_dim3A_471 : i32 to vector<16xi32>
      %gather3A_473 = tpu.vector_load_idx %arg10[%add3A_396, %broadcast_in_dim3A_472] : memref<2560x16xf32, #tpu.memory_space<vmem>>[vector<16xi32>, vector<16xi32>], vector<16xf32>,
      %gather3A_474 = tpu.vector_load_idx %arg9[%div3A_398, %broadcast_in_dim3A_472] : memref<512x16xf32, #tpu.memory_space<vmem>>[vector<16xi32>, vector<16xi32>], vector<16xf32>,
      %mul3A_475 = arith.mulf %gather3A_473, %gather3A_474 : vector<16xf32>
      %add3A_476 = arith.addf %add3A_470, %mul3A_475 : vector<16xf32>
      %broadcast_in_dim3A_477 = arith.constant 13 : i32
      %broadcast_in_dim3A_478 = vector.broadcast %broadcast_in_dim3A_477 : i32 to vector<16xi32>
      %gather3A_479 = tpu.vector_load_idx %arg10[%add3A_396, %broadcast_in_dim3A_478] : memref<2560x16xf32, #tpu.memory_space<vmem>>[vector<16xi32>, vector<16xi32>], vector<16xf32>,
      %gather3A_480 = tpu.vector_load_idx %arg9[%div3A_398, %broadcast_in_dim3A_478] : memref<512x16xf32, #tpu.memory_space<vmem>>[vector<16xi32>, vector<16xi32>], vector<16xf32>,
      %mul3A_481 = arith.mulf %gather3A_479, %gather3A_480 : vector<16xf32>
      %add3A_482 = arith.addf %add3A_476, %mul3A_481 : vector<16xf32>
      %broadcast_in_dim3A_483 = arith.constant 14 : i32
      %broadcast_in_dim3A_484 = vector.broadcast %broadcast_in_dim3A_483 : i32 to vector<16xi32>
      %gather3A_485 = tpu.vector_load_idx %arg10[%add3A_396, %broadcast_in_dim3A_484] : memref<2560x16xf32, #tpu.memory_space<vmem>>[vector<16xi32>, vector<16xi32>], vector<16xf32>,
      %gather3A_486 = tpu.vector_load_idx %arg9[%div3A_398, %broadcast_in_dim3A_484] : memref<512x16xf32, #tpu.memory_space<vmem>>[vector<16xi32>, vector<16xi32>], vector<16xf32>,
      %mul3A_487 = arith.mulf %gather3A_485, %gather3A_486 : vector<16xf32>
      %add3A_488 = arith.addf %add3A_482, %mul3A_487 : vector<16xf32>
      %broadcast_in_dim3A_489 = arith.constant 15 : i32
      %broadcast_in_dim3A_490 = vector.broadcast %broadcast_in_dim3A_489 : i32 to vector<16xi32>
      %gather3A_491 = tpu.vector_load_idx %arg10[%add3A_396, %broadcast_in_dim3A_490] : memref<2560x16xf32, #tpu.memory_space<vmem>>[vector<16xi32>, vector<16xi32>], vector<16xf32>,
      %gather3A_492 = tpu.vector_load_idx %arg9[%div3A_398, %broadcast_in_dim3A_490] : memref<512x16xf32, #tpu.memory_space<vmem>>[vector<16xi32>, vector<16xi32>], vector<16xf32>,
      %mul3A_493 = arith.mulf %gather3A_491, %gather3A_492 : vector<16xf32>
      %add3A_494 = arith.addf %add3A_488, %mul3A_493 : vector<16xf32>
      %mul3A_495 = arith.constant 16 : i32
      %mul3A_496 = arith.muli %scan3A_392, %mul3A_495 : i32
      %swap3A = arith.index_cast %mul3A_496 : i32 to index
      %swap3A_497 = tpu.vector_load %arg11[%swap3A] {strides = array<i32>} : memref<2560xf32, #tpu.memory_space<vmem>>, vector<16xf32>,
      tpu.vector_store %arg11[%swap3A], %add3A_494 {strides = array<i32>} : memref<2560xf32, #tpu.memory_space<vmem>>, vector<16xf32>,
    }
    %scan3A_391 = arith.constant 160 : i32
    "tpu.region"() ({
      %run_scoped3A = tpu.sem_alloc : memref<!tpu.dma_semaphore, #tpu.memory_space<semaphore_mem>>
      %dma_start3A_392 = tpu.memref_slice %arg6[%mul3A_4] : memref<81920xf32, #tpu.memory_space<hbm>> -> memref<2560xf32, #tpu.memory_space<hbm>>
      %dma_start3A_393 = tpu.memref_slice %arg6[%mul3A_4] : memref<81920xf32, #tpu.memory_space<hbm>> -> memref<2560xf32, #tpu.memory_space<hbm>>
      tpu.enqueue_dma source(%arg11 : memref<2560xf32, #tpu.memory_space<vmem>>) target(%dma_start3A_393 : memref<2560xf32, #tpu.memory_space<hbm>>) target_semaphore(%run_scoped3A : memref<!tpu.dma_semaphore, #tpu.memory_space<semaphore_mem>>)
      %dma_wait3A_394 = tpu.memref_slice %arg6[%mul3A_4] : memref<81920xf32, #tpu.memory_space<hbm>> -> memref<2560xf32, #tpu.memory_space<hbm>>
      %dma_wait3A_395 = tpu.memref_slice %arg6[%mul3A_4] : memref<81920xf32, #tpu.memory_space<hbm>> -> memref<2560xf32, #tpu.memory_space<hbm>>
      tpu.wait_dma2 semaphore(%run_scoped3A : memref<!tpu.dma_semaphore, #tpu.memory_space<semaphore_mem>>) src(%arg11 : memref<2560xf32, #tpu.memory_space<vmem>>) dst(%dma_wait3A_395 : memref<2560xf32, #tpu.memory_space<hbm>>)
      tpu.yield
    }) : () -> ()
    return
  }
}

</mosaic_0001>

<sc_bundles>
// kernel: kernel.3.cloned.1.call-start
scs
__scs_entry_jumppad:
0x0: {  	(pc) =	sbr.rel $0x88, $3  }
0x1: {  	(tag) =	ssettag $0x0;
	lr =	simm.s32 $0x1  }
0x2: {  	[smem:$0x3F9D] =	sst lr;
	_ =	strace $0xD0000000  }
0x3: {  	_ = 	snop  }
0x4: {  	_ = 	snop  }
0x5: {  	_ = 	snop  }
0x6: {  	_ = 	snop  }
0x7: {  	_ = 	snop  }
__scs_overlays_trampoline_lowered:
0x8: {  	[smem:$0x3FAC] =	sst s0  }
0x9: {  	[smem:$0x3FAD] =	sst s1  }
0xa: {  	[smem:$0x3FAE] =	sst s2  }
0xb: {  	[smem:$0x3FAF] =	sst s3  }
0xc: {  	[smem:$0x3FB0] =	sst s4  }
0xd: {  	[smem:$0x3FB1] =	sst s5  }
0xe: {  	[smem:$0x3FB2] =	sst s6  }
0xf: {  	[smem:$0x3FB3] =	sst s7  }
0x10: {  	[smem:$0x3FB4] =	sst s8  }
0x11: {  	[smem:$0x3FB5] =	sst s9;
	s0 =	simm.s32 @!p0 $0x0  }
0x12: {  	s1 =	sld [smem:$0x3F9B];
	s0 =	simm.s32 @p0 $0x1  }
0x13: {  	[smem:$0x3FB6] =	sst s0;
	s0 =	simm.s32 @!p1 $0x0  }
0x14: {  	s2 =	sld [smem:$0x3F9A];
	s0 =	simm.s32 @p1 $0x1  }
0x15: {  	[smem:$0x3FB7] =	sst s0;
	s0 =	simm.s32 @!p2 $0x0  }
0x16: {  	s3 =	sld [smem:$0x3FDB];
	s0 =	simm.s32 @p2 $0x1  }
0x17: {  	s4 =	simm.s32 $0x1BF5;
	[smem:$0x3FB9] =	sst s0  }
0x18: {  	s0 =	sld [smem:$0x3F9C];
	_ =	swait.ge [sflag:s4], $0x0  }
0x19: {  	s7 =	sld [smem:$0x3F9D]  }
0x1a: {  	s8 =	sadd.s32 $0xFFFFE003, lr  }
0x1b: {  	s9 =	sadd.s32 $0xFFFFFEF7, lr;
	s5 =	simm.s32 $0xFFFFFFFF;
	p2 =	slt.u32 s8, $0xFFFFF086  }
0x1c: {  	p1 =	slt.u32 s9, $0xF7A;
	s5 =	simm.s32 @!p2 $0x0  }
0x1d: {  	s5 =	simm.s32 @p1 $0x1;
	p0 =	seq.s32 s7, s2  }
0x1e: {  	s7 =	smul.u32 @!p0 $0xF7A, s2;
	p2 =	seq.s32 @!p0 s5, $0x0  }
0x1f: {  	s9 =	smul.u32 $0xF7A, s1;
	s8 =	simm.s32 @!p0 $0x1BF5;
	p2 =	por !p2, p0  }
0x20: {  	[sflag:s8] =	ssyncset.s32 @!p0 $0xFFFFF086;
	s6 =	sadd.s32 @!p0 s3, s7;
	s7 =	simm.s32 @!p0 $0x108  }
0x21: {  	s3 =	sadd.s32 s3, s9;
	s6 =	sadd.s32 @!p0 $0x88, s6;
	s7 =	simm.s32 @p2 $0x1082  }
0x22: {  	[simem:s7], [sflag:s8] =	dma.local @!p0 [hbm:s6], $0xF7A  }
0x23: {  	s9 =	sor.u32 $0xD0000000, s2;
	s6 =	simm.s32 $0x108;
	_ =	swait.ge @!p0 [sflag:s8], $0x0  }
0x24: {  	s3 =	sadd.s32 $0x88, s3;
	s6 =	simm.s32 @!p1 $0x1082;
	[sflag:s4] =	ssyncset.s32 $0xFFFFF086  }
0x25: {  	[simem:s6], [sflag:s4] =	dma.local [hbm:s3], $0xF7A  }
0x26: {  	[smem:$0x3F9D] =	sst s1;
	(tag) =	ssettag s2;
	_ =	strace s9  }
0x27: {  	s1 =	sld [smem:$0x3FAD]  }
0x28: {  	s2 =	sld [smem:$0x3FAE]  }
0x29: {  	s4 =	sld [smem:$0x3FB0]  }
0x2a: {  	p0 =	seq.s32 s5, $0x0;
	s5 =	sld [smem:$0x3FB1]  }
0x2b: {  	s6 =	sld [smem:$0x3FB2]  }
0x2c: {  	s7 =	sld [smem:$0x3FB3]  }
0x2d: {  	s3 =	simm.s32 $0x108;
	s8 =	sld [smem:$0x3FB4]  }
0x2e: {  	s3 =	simm.s32 @!p0 $0x1082;
	s9 =	sld [smem:$0x3FB5]  }
0x2f: {  	lr =	sadd.s32 s0, s3;
	s0 =	sld [smem:$0x3FAC]  }
0x30: {  	s3 =	sld [smem:$0x3FAF]  }
0x31: {  	[smem:$0x3FB8] =	sst s10  }
0x32: {  	s10 =	sld [smem:$0x3FB6];
	_ =	sdelay $0x3  }
0x33: {  	p0 =	seq.s32 s10, $0x1;
	s10 =	sld [smem:$0x3FB8];
	_ =	sdelay $0x3  }
0x34: {  	[smem:$0x3FB8] =	sst s10  }
0x35: {  	s10 =	sld [smem:$0x3FB7];
	_ =	sdelay $0x3  }
0x36: {  	p1 =	seq.s32 s10, $0x1;
	s10 =	sld [smem:$0x3FB8];
	_ =	sdelay $0x3  }
0x37: {  	[smem:$0x3FB8] =	sst s10  }
0x38: {  	s10 =	sld [smem:$0x3FB9]  }
0x39: {  	_ = 	snop;
	(pc) =	sbr.ind lr, $3  }
0x3a: {  	_ = 	snop  }
0x3b: {  	_ = 	snop  }
0x3c: {  	p2 =	seq.s32 s10, $0x1;
	s10 =	sld [smem:$0x3FB8]  }
0x3d: {  	_ =	shalt  }
0x3e: {  	_ =	shalt  }
0x3f: {  	_ =	shalt  }
0x40: {  	_ =	shalt  }
0x41: {  	_ =	shalt  }
0x42: {  	_ =	shalt  }
0x43: {  	_ =	shalt  }
0x44: {  	_ =	shalt  }
0x45: {  	_ =	shalt  }
0x46: {  	_ =	shalt  }
0x47: {  	_ =	shalt  }
0x48: {  	_ =	shalt  }
0x49: {  	_ =	shalt  }
0x4a: {  	_ =	shalt  }
0x4b: {  	_ =	shalt  }
0x4c: {  	_ =	shalt  }
0x4d: {  	_ =	shalt  }
0x4e: {  	_ =	shalt  }
0x4f: {  	_ =	shalt  }
0x50: {  	_ =	shalt  }
0x51: {  	_ =	shalt  }
0x52: {  	_ =	shalt  }
0x53: {  	_ =	shalt  }
0x54: {  	_ =	shalt  }
0x55: {  	_ =	shalt  }
0x56: {  	_ =	shalt  }
0x57: {  	_ =	shalt  }
0x58: {  	_ =	shalt  }
0x59: {  	_ =	shalt  }
0x5a: {  	_ =	shalt  }
0x5b: {  	_ =	shalt  }
0x5c: {  	_ =	shalt  }
0x5d: {  	_ =	shalt  }
0x5e: {  	_ =	shalt  }
0x5f: {  	_ =	shalt  }
0x60: {  	_ =	shalt  }
0x61: {  	_ =	shalt  }
0x62: {  	_ =	shalt  }
0x63: {  	_ =	shalt  }
0x64: {  	_ =	shalt  }
0x65: {  	_ =	shalt  }
0x66: {  	_ =	shalt  }
0x67: {  	_ =	shalt  }
0x68: {  	_ =	shalt  }
0x69: {  	_ =	shalt  }
0x6a: {  	_ =	shalt  }
0x6b: {  	_ =	shalt  }
0x6c: {  	_ =	shalt  }
0x6d: {  	_ =	shalt  }
0x6e: {  	_ =	shalt  }
0x6f: {  	_ =	shalt  }
0x70: {  	_ =	shalt  }
0x71: {  	_ =	shalt  }
0x72: {  	_ =	shalt  }
0x73: {  	_ =	shalt  }
0x74: {  	_ =	shalt  }
0x75: {  	_ =	shalt  }
0x76: {  	_ =	shalt  }
0x77: {  	_ =	shalt  }
0x78: {  	_ =	shalt  }
0x79: {  	_ =	shalt  }
0x7a: {  	_ =	shalt  }
0x7b: {  	_ =	shalt  }
0x7c: {  	_ =	shalt  }
0x7d: {  	_ =	shalt  }
0x7e: {  	_ =	shalt  }
0x7f: {  	_ =	shalt  }
0x80: {  	_ =	shalt  }
0x81: {  	_ =	shalt  }
0x82: {  	_ =	shalt  }
0x83: {  	_ =	shalt  }
0x84: {  	_ =	shalt  }
0x85: {  	_ =	shalt  }
0x86: {  	_ =	shalt  }
0x87: {  	_ =	shalt  }
.Lfunc_end0:
.L_simem_size_0:
called_computation_lowered:
.L_overlay_start_0:
0x88: {  	s2 =	sld [smem:$0x3FD9]  }
0x89: {  	s3 =	sld [smem:$0x3FFE];
	_ =	sdelay $0x1  }
0x8a: {  	s1 =	srdreg.scid  }
0x8b: {  	s0 =	sand.u32 $0x1, s1  }
0x8c: {  	s17 =	sshll.u32 s0, $0xA;
	s2 =	sadd.s32 s3, s2  }
0x8d: {  	s2 =	sadd.s32 s2, s17  }
0x8e: {  	[smem:$0x3FC4] =	sst s2  }
0x8f: {  	_ = 	snop  }
0x90: {  	s2 =	sld [smem:$0x3FC9]  }
0x91: {  	s18 =	sld [smem:$0x3FD0];
	(tm) =	ssettm $0x1  }
0x92: {  	s4 =	sld [smem:$0x3FFB];
	_ =	sdelay $0x3  }
0x93: {  	_ =	strace s4  }
0x94: {  	s4 =	sld [smem:$0x3FFC];
	_ =	sdelay $0x3  }
0x95: {  	_ =	strace s4  }
0x96: {  	s4 =	sld [smem:$0x3FFD];
	_ =	sdelay $0x3  }
0x97: {  	_ =	strace s4  }
0x98: {  	_ =	strace $0x8FFFFFFF  }
0x99: {  	s19 =	sld [smem:$0x3FDB];
	_ =	sdelay $0x1  }
0x9a: {  	s5 =	simm.s32 $_scs_section_size  }
0x9b: {  	s6 =	simm.s32 $_size__tile_overlayer_lowered;
	s7 =	simm.s32 $_tile_overlayer_lowered  }
0x9c: {  	s22 =	simm.s32 $0x1BFF;
	s21 =	sshll.u32 s7, $0x1;
	s4 =	sadd.s32 s5, s19  }
0x9d: {  	s8 =	simm.s32 $0x0;
	s20 =	sshll.u32 s6, $0x1;
	s6 =	sadd.s32 s21, s4  }
0x9e: {  	[timem:s8], [sflag:s22] =	dma.local [hbm:s6], s20  }
0x9f: {  	_ =	swait.ge [sflag:s22], s20  }
0xa0: {  	s5 =	ssub.s32 $0x0, s20;
	[sflag:s22] =	ssyncset.done $0x0  }
0xa1: {  	[sflag:s22] =	ssyncadd.s32 s5;
	_ =	sdelay $0x1  }
0xa2: {  	s23 =	simm.s32 $0x1B8B  }
0xa3: {  	_ =	swait.ge [sflag:s23], $0x1  }
0xa4: {  	[sflag:s23] =	ssyncset.done $0x0  }
0xa5: {  	s25 =	simm.s32 $0x1B8E;
	s24 =	sld [smem:$0x3FFE];
	[sflag:s23] =	ssyncadd.s32 $0xFFFFFFFF  }
0xa6: {  	s26 =	simm.s32 $execute0_lowered;
	[smem:$0x3FD2] =	sst s25  }
0xa7: {  	s6 =	sshll.u32 s26, $0x1;
	_ =	strace $0x80000046;
	[dreg:$0x1] =	wrdreg $0xFFFFFFFF  }
0xa8: {  	s28 =	simm.s32 $_size_execute0_lowered;
	s4 =	sadd.s32 s4, s6;
	[dreg:$0x0] =	wrdreg $0x0  }
0xa9: {  	s6 =	sshll.u32 s28, $0x1;
	[dreg:$0x2] =	wrdreg s4  }
0xaa: {  	[dreg:$0x3] =	wrdreg s6  }
0xab: {  	[dreg:$0x4] =	wrdreg $0xC0  }
0xac: {  	_ =	task [dreg:s8], $0x5FFFF  }
0xad: {  	[dreg:$0x1] =	wrdreg $0xFFFFFFFF  }
0xae: {  	[dreg:$0x0] =	wrdreg $0x60  }
0xaf: {  	[dreg:$0x2] =	wrdreg s2  }
0xb0: {  	[dreg:$0x3] =	wrdreg s18  }
0xb1: {  	[dreg:$0x4] =	wrdreg s24  }
0xb2: {  	[dreg:$0x5] =	wrdreg $0x9  }
0xb3: {  	_ =	task.clear_ibuf [dreg:s8], $0x6FFFF;
	_ =	strace $0x90000046  }
0xb4: {  	s29 =	simm.s32 $0x9;
	_ =	strace $0x80000048  }
0xb5: {  	_ =	swait.ge [sflag:s29], $0x1  }
0xb6: {  	[sflag:s29] =	ssyncadd.s32 $0xFFFFFFFF  }
0xb7: {  	_ =	strace $0x90000048  }
0xb8: {  	_ =	sfence  }
0xb9: {  	s30 =	sld [smem:$0x0];
	_ =	sdelay $0x2  }
0xba: {  	s31 =	sshll.u32 s1, $0xD;
	s1 =	sshrl.u32 s1, $0x2  }
0xbb: {  	s3 =	sand.u32 $0x4000, s31;
	s1 =	sadd.s32 s1, s30  }
0xbc: {  	s0 =	sor.u32 s3, s0;
	s1 =	sshll.u32 s1, $0x11  }
0xbd: {  	s0 =	sor.u32 s1, s0  }
0xbe: {  	s0 =	sadd.s32 $0x8F2B, s0  }
0xbf: {  	[sflag:s0] =	ssyncadd.remote.s32 $0x1  }
0xc0: {  	_ =	sfence.sel $0xFFFF  }
0xc1: {  	[dreg:$0x0] =	wrdreg $0xFFFFFFFF;
	(pc) =	sbr.abs _section_cstart, $3  }
0xc2: {  	[dreg:$0x1] =	wrdreg $0xFFFFFFFF  }
0xc3: {  	_ =	task.clear_ibuf [dreg:s8], $0x2FFFF;
	_ =	strace $0x9FFFFFFF  }
0xc4: {  	(tm) =	ssettm $0x7FFFFFFF  }
0xc5: {  	_ =	shalt  }
tec
execute0_lowered:
.L_overlay_start_1:
0x0: {  	(tag) =	ssettag $0x1  }
0x1: {  	s0 =	rddreg [dreg:$0x0]  }
0x2: {  	s1 =	rddreg [dreg:$0x1]  }
0x3: {  	s5 =	rddreg [dreg:$0x2]  }
0x4: {  	s2 =	simm.s32 $0x0;
	s3 =	srdreg.scid;
	s6 =	stileid.u32  }
0x5: {  	s11 =	simm.s32 $0x80;
	s12 =	simm.s32 $0xC00;
	s18 =	simm.s32 $0x2C00  }
0x6: {  	s24 =	simm.s32 $0x880;
	s25 =	simm.s32 $0x9400;
	s28 =	simm.s32 $0x9C00  }
0x7: {  	s29 =	simm.s32 $0x980;
	s30 =	simm.s32 $0xA400;
	s31 =	simm.s32 $0xA00  }
0x8: {  	s13 =	simm.s32 $0xB400;
	s14 =	simm.s32 $0xB00;
	s15 =	simm.s32 $0xBC00  }
0x9: {  	s16 =	simm.s32 $0xB80;
	s17 =	simm.s32 $0xC400;
	s19 =	simm.s32 $0x1  }
0xa: {  	s20 =	simm.s32 $0xCC00;
	s21 =	simm.s32 $0x0;
	[smem:$0x7FF] =	sst s2  }
0xb: {  	s4 =	sand.u32 $0x1, s3;
	s26 =	sshll.u32 s6, $0x1;
	s3 =	sadd.s32 $0x112B000, s5  }
0xc: {  	_ =	strace $0x80000047;
	s6 =	sor.u32 s4, s26;
	s8 =	ssub.s32 $0x2, s4  }
0xd: {  	s4 =	sadd.s32 $0xF42A00, s5;
	s7 =	smul.u32 $0x140, s6;
	s9 =	sshrl.u32 s8, $0x1  }
0xe: {  	s26 =	simm.s32 $0x900;
	s6 =	sshll.u32 s6, $0x6;
	s8 =	ssub.s32 s8, s9  }
0xf: {  	s9 =	simm.s32 $0x2;
	s10 =	sadd.s32 s7, s5;
	s5 =	sadd.s32 s0, s6  }
0x10: {  	s6 =	sadd.s32 s1, s7;
	s8 =	smax.u32 s8, $0x1;
	s0 =	simm.s32 $0xAC00  }
0x11: {  	v0 =	vlaneseq.u32;
	s1 =	simm.s32 $0xA80;
	s7 =	sadd.s32 $0x600, s10;
	s10 =	simm.s32 $0x200  }
.LBB2_1:
0x12: {  	[tilespmem:s2], [sflag:$0x2] =	stream.linear.gather [hbm4b:s5+s2], $0x200, $0x38;
	[tilespmem:$0xD600] =	vst v63  }
0x13: {  	_ =	swait.ge [sflag:s9], $0x200  }
0x14: {  	[sflag:s9] =	ssyncset.done $0x0  }
0x15: {  	[sflag:s9] =	ssyncadd.s32 $0xFFFFFE00  }
0x16: {  	[tilespmem:s10], [sflag:$0x2] =	stream.linear.gather [hbm4b:s6+s2], $0xA00, $0x38;
	[tilespmem:$0xD600] =	vst v63  }
0x17: {  	_ =	swait.ge [sflag:s9], $0xA00  }
0x18: {  	[sflag:s9] =	ssyncset.done $0x0  }
0x19: {  	[sflag:s9] =	ssyncadd.s32 $0xFFFFF600  }
0x1a: {  	[tilespmem:s12], [sflag:$0x1] =	stream.indirect.gather [hbm4b:s3+s11], $0x10, s2, s11, $0xb8;
	[tilespmem:$0xD600] =	vst v63  }
0x1b: {  	s22 =	simm.s32 $0x1400  }
0x1c: {  	[tilespmem:s22], [sflag:$0x1] =	stream.indirect.gather [hbm4b:s3+s11], $0x10, s11, s11, $0xb8;
	[tilespmem:$0xD600] =	vst v63  }
0x1d: {  	s23 =	simm.s32 $0x1C00;
	s22 =	simm.s32 $0x100  }
0x1e: {  	[tilespmem:s23], [sflag:$0x1] =	stream.indirect.gather [hbm4b:s3+s11], $0x10, s22, s11, $0xb8;
	[tilespmem:$0xD600] =	vst v63  }
0x1f: {  	s22 =	simm.s32 $0x180;
	s23 =	simm.s32 $0x2400  }
0x20: {  	[tilespmem:s23], [sflag:$0x1] =	stream.indirect.gather [hbm4b:s3+s11], $0x10, s22, s11, $0xb8;
	[tilespmem:$0xD600] =	vst v63  }
0x21: {  	_ = 	snop  }
0x22: {  	[tilespmem:s18], [sflag:$0x1] =	stream.indirect.gather [hbm4b:s4+s11], $0x10, s10, s11, $0xb8;
	[tilespmem:$0xD600] =	vst v63  }
0x23: {  	s22 =	simm.s32 $0x280;
	s23 =	simm.s32 $0x3400  }
0x24: {  	[tilespmem:s23], [sflag:$0x1] =	stream.indirect.gather [hbm4b:s4+s11], $0x10, s22, s11, $0xb8;
	[tilespmem:$0xD600] =	vst v63  }
0x25: {  	s22 =	simm.s32 $0x300;
	s23 =	simm.s32 $0x3C00  }
0x26: {  	[tilespmem:s23], [sflag:$0x1] =	stream.indirect.gather [hbm4b:s4+s11], $0x10, s22, s11, $0xb8;
	[tilespmem:$0xD600] =	vst v63  }
0x27: {  	s22 =	simm.s32 $0x380;
	s23 =	simm.s32 $0x4400  }
0x28: {  	[tilespmem:s23], [sflag:$0x1] =	stream.indirect.gather [hbm4b:s4+s11], $0x10, s22, s11, $0xb8;
	[tilespmem:$0xD600] =	vst v63  }
0x29: {  	s22 =	simm.s32 $0x400;
	s23 =	simm.s32 $0x4C00  }
0x2a: {  	[tilespmem:s23], [sflag:$0x1] =	stream.indirect.gather [hbm4b:s4+s11], $0x10, s22, s11, $0xb8;
	[tilespmem:$0xD600] =	vst v63  }
0x2b: {  	s22 =	simm.s32 $0x480;
	s23 =	simm.s32 $0x5400  }
0x2c: {  	[tilespmem:s23], [sflag:$0x1] =	stream.indirect.gather [hbm4b:s4+s11], $0x10, s22, s11, $0xb8;
	[tilespmem:$0xD600] =	vst v63  }
0x2d: {  	s22 =	simm.s32 $0x500;
	s23 =	simm.s32 $0x5C00  }
0x2e: {  	[tilespmem:s23], [sflag:$0x1] =	stream.indirect.gather [hbm4b:s4+s11], $0x10, s22, s11, $0xb8;
	[tilespmem:$0xD600] =	vst v63  }
0x2f: {  	s22 =	simm.s32 $0x580;
	s23 =	simm.s32 $0x6400  }
0x30: {  	[tilespmem:s23], [sflag:$0x1] =	stream.indirect.gather [hbm4b:s4+s11], $0x10, s22, s11, $0xb8;
	[tilespmem:$0xD600] =	vst v63  }
0x31: {  	s22 =	simm.s32 $0x600;
	s23 =	simm.s32 $0x6C00  }
0x32: {  	[tilespmem:s23], [sflag:$0x1] =	stream.indirect.gather [hbm4b:s4+s11], $0x10, s22, s11, $0xb8;
	[tilespmem:$0xD600] =	vst v63  }
0x33: {  	s22 =	simm.s32 $0x680;
	s23 =	simm.s32 $0x7400  }
0x34: {  	[tilespmem:s23], [sflag:$0x1] =	stream.indirect.gather [hbm4b:s4+s11], $0x10, s22, s11, $0xb8;
	[tilespmem:$0xD600] =	vst v63  }
0x35: {  	s22 =	simm.s32 $0x700;
	s23 =	simm.s32 $0x7C00  }
0x36: {  	[tilespmem:s23], [sflag:$0x1] =	stream.indirect.gather [hbm4b:s4+s11], $0x10, s22, s11, $0xb8;
	[tilespmem:$0xD600] =	vst v63  }
0x37: {  	s22 =	simm.s32 $0x780;
	s23 =	simm.s32 $0x8400  }
0x38: {  	[tilespmem:s23], [sflag:$0x1] =	stream.indirect.gather [hbm4b:s4+s11], $0x10, s22, s11, $0xb8;
	[tilespmem:$0xD600] =	vst v63  }
0x39: {  	s22 =	simm.s32 $0x800;
	s23 =	simm.s32 $0x8C00  }
0x3a: {  	[tilespmem:s23], [sflag:$0x1] =	stream.indirect.gather [hbm4b:s4+s11], $0x10, s22, s11, $0xb8;
	[tilespmem:$0xD600] =	vst v63  }
0x3b: {  	_ = 	snop  }
0x3c: {  	[tilespmem:s25], [sflag:$0x1] =	stream.indirect.gather [hbm4b:s4+s11], $0x10, s24, s11, $0xb8;
	[tilespmem:$0xD600] =	vst v63  }
0x3d: {  	_ = 	snop  }
0x3e: {  	[tilespmem:s28], [sflag:$0x1] =	stream.indirect.gather [hbm4b:s4+s11], $0x10, s26, s11, $0xb8;
	[tilespmem:$0xD600] =	vst v63  }
0x3f: {  	_ = 	snop  }
0x40: {  	[tilespmem:s30], [sflag:$0x1] =	stream.indirect.gather [hbm4b:s4+s11], $0x10, s29, s11, $0xb8;
	[tilespmem:$0xD600] =	vst v63  }
0x41: {  	_ = 	snop  }
0x42: {  	[tilespmem:s0], [sflag:$0x1] =	stream.indirect.gather [hbm4b:s4+s11], $0x10, s31, s11, $0xb8;
	[tilespmem:$0xD600] =	vst v63  }
0x43: {  	_ = 	snop  }
0x44: {  	[tilespmem:s13], [sflag:$0x1] =	stream.indirect.gather [hbm4b:s4+s11], $0x10, s1, s11, $0xb8;
	[tilespmem:$0xD600] =	vst v63  }
0x45: {  	_ = 	snop  }
0x46: {  	[tilespmem:s15], [sflag:$0x1] =	stream.indirect.gather [hbm4b:s4+s11], $0x10, s14, s11, $0xb8;
	[tilespmem:$0xD600] =	vst v63  }
0x47: {  	_ = 	snop  }
0x48: {  	[tilespmem:s17], [sflag:$0x1] =	stream.indirect.gather [hbm4b:s4+s11], $0x10, s16, s11, $0xb8;
	[tilespmem:$0xD600] =	vst v63  }
0x49: {  	_ =	swait.ge [sflag:s19], $0x800  }
0x4a: {  	[sflag:s19] =	ssyncset.done $0x0  }
0x4b: {  	[sflag:s19] =	ssyncadd.s32 $0xFFFFF800  }
0x4c: {  	_ =	swait.ge [sflag:s19], $0x800  }
0x4d: {  	[sflag:s19] =	ssyncset.done $0x0  }
0x4e: {  	[sflag:s19] =	ssyncadd.s32 $0xFFFFF800  }
0x4f: {  	_ =	swait.ge [sflag:s19], $0x800  }
0x50: {  	[sflag:s19] =	ssyncset.done $0x0  }
0x51: {  	[sflag:s19] =	ssyncadd.s32 $0xFFFFF800  }
0x52: {  	_ =	swait.ge [sflag:s19], $0x800  }
0x53: {  	[sflag:s19] =	ssyncset.done $0x0  }
0x54: {  	[sflag:s19] =	ssyncadd.s32 $0xFFFFF800  }
0x55: {  	_ =	swait.ge [sflag:s19], $0x800  }
0x56: {  	[sflag:s19] =	ssyncset.done $0x0  }
0x57: {  	[sflag:s19] =	ssyncadd.s32 $0xFFFFF800  }
0x58: {  	_ =	swait.ge [sflag:s19], $0x800  }
0x59: {  	[sflag:s19] =	ssyncset.done $0x0  }
0x5a: {  	[sflag:s19] =	ssyncadd.s32 $0xFFFFF800  }
0x5b: {  	_ =	swait.ge [sflag:s19], $0x800  }
0x5c: {  	[sflag:s19] =	ssyncset.done $0x0  }
0x5d: {  	[sflag:s19] =	ssyncadd.s32 $0xFFFFF800  }
0x5e: {  	_ =	swait.ge [sflag:s19], $0x800  }
0x5f: {  	[sflag:s19] =	ssyncset.done $0x0  }
0x60: {  	[sflag:s19] =	ssyncadd.s32 $0xFFFFF800  }
0x61: {  	_ =	swait.ge [sflag:s19], $0x800  }
0x62: {  	[sflag:s19] =	ssyncset.done $0x0  }
0x63: {  	[sflag:s19] =	ssyncadd.s32 $0xFFFFF800  }
0x64: {  	_ =	swait.ge [sflag:s19], $0x800  }
0x65: {  	[sflag:s19] =	ssyncset.done $0x0  }
0x66: {  	[sflag:s19] =	ssyncadd.s32 $0xFFFFF800  }
0x67: {  	_ =	swait.ge [sflag:s19], $0x800  }
0x68: {  	[sflag:s19] =	ssyncset.done $0x0  }
0x69: {  	[sflag:s19] =	ssyncadd.s32 $0xFFFFF800  }
0x6a: {  	_ =	swait.ge [sflag:s19], $0x800  }
0x6b: {  	[sflag:s19] =	ssyncset.done $0x0  }
0x6c: {  	[sflag:s19] =	ssyncadd.s32 $0xFFFFF800  }
0x6d: {  	_ =	swait.ge [sflag:s19], $0x800  }
0x6e: {  	[sflag:s19] =	ssyncset.done $0x0  }
0x6f: {  	[sflag:s19] =	ssyncadd.s32 $0xFFFFF800  }
0x70: {  	_ =	swait.ge [sflag:s19], $0x800  }
0x71: {  	[sflag:s19] =	ssyncset.done $0x0  }
0x72: {  	[sflag:s19] =	ssyncadd.s32 $0xFFFFF800  }
0x73: {  	_ =	swait.ge [sflag:s19], $0x800  }
0x74: {  	[sflag:s19] =	ssyncset.done $0x0  }
0x75: {  	[sflag:s19] =	ssyncadd.s32 $0xFFFFF800  }
0x76: {  	_ =	swait.ge [sflag:s19], $0x800  }
0x77: {  	[sflag:s19] =	ssyncset.done $0x0  }
0x78: {  	[sflag:s19] =	ssyncadd.s32 $0xFFFFF800  }
0x79: {  	_ =	swait.ge [sflag:s19], $0x800  }
0x7a: {  	[sflag:s19] =	ssyncset.done $0x0  }
0x7b: {  	[sflag:s19] =	ssyncadd.s32 $0xFFFFF800  }
0x7c: {  	_ =	swait.ge [sflag:s19], $0x800  }
0x7d: {  	[sflag:s19] =	ssyncset.done $0x0  }
0x7e: {  	[sflag:s19] =	ssyncadd.s32 $0xFFFFF800  }
0x7f: {  	_ =	swait.ge [sflag:s19], $0x800  }
0x80: {  	[sflag:s19] =	ssyncset.done $0x0  }
0x81: {  	[sflag:s19] =	ssyncadd.s32 $0xFFFFF800  }
0x82: {  	_ =	swait.ge [sflag:s19], $0x800  }
0x83: {  	[sflag:s19] =	ssyncset.done $0x0  }
0x84: {  	[sflag:s19] =	ssyncadd.s32 $0xFFFFF800  }
0x85: {  	_ =	swait.ge [sflag:s19], $0x800  }
0x86: {  	[sflag:s19] =	ssyncset.done $0x0  }
0x87: {  	[sflag:s19] =	ssyncadd.s32 $0xFFFFF800  }
0x88: {  	v1 =	vor.u32 s2, v0;
	_ =	swait.ge [sflag:s19], $0x800  }
0x89: {  	v2 =	vmulhi.u32 $0xCCCCCCCD, v1;
	[sflag:s19] =	ssyncset.done $0x0  }
0x8a: {  	[sflag:s19] =	ssyncadd.s32 $0xFFFFF800  }
0x8b: {  	v2 =	vshrl.u32 v2, $0x2;
	_ =	swait.ge [sflag:s19], $0x800  }
0x8c: {  	v2 =	vshll.u32 v2, $0x4;
	[sflag:s19] =	ssyncset.done $0x0  }
0x8d: {  	v1 =	vshll.u32 v1, $0x4;
	[sflag:s19] =	ssyncadd.s32 $0xFFFFF800  }
0x8e: {  	v3 =	vor.u32 $0x1, v1;
	_ =	swait.ge [sflag:s19], $0x800  }
0x8f: {  	v4 =	vor.u32 $0x1, v2;
	[sflag:s19] =	ssyncset.done $0x0  }
0x90: {  	v5 =	vor.u32 $0x2, v1;
	[sflag:s19] =	ssyncadd.s32 $0xFFFFF800  }
0x91: {  	v7 =	vor.u32 $0x2, v2;
	v6 =	vld.idx.msk [tilespmem:v2+s12+$0x0], $0xffff  }
0x92: {  	v9 =	vor.u32 $0x3, v1;
	v8 =	vld.idx.msk [tilespmem:v1+s18+$0x0], $0xffff  }
0x93: {  	v10 =	vor.u32 $0x3, v2;
	v3 =	vld.idx.msk [tilespmem:v3+s18+$0x0], $0xffff  }
0x94: {  	v11 =	vor.u32 $0x4, v1;
	v4 =	vld.idx.msk [tilespmem:v4+s12+$0x0], $0xffff  }
0x95: {  	v12 =	vor.u32 $0x4, v2;
	v5 =	vld.idx.msk [tilespmem:v5+s18+$0x0], $0xffff  }
0x96: {  	v13 =	vor.u32 $0x5, v1;
	v7 =	vld.idx.msk [tilespmem:v7+s12+$0x0], $0xffff  }
0x97: {  	v14 =	vor.u32 $0x5, v2;
	v9 =	vld.idx.msk [tilespmem:v9+s18+$0x0], $0xffff;
	v6 =	vmul.f32 v6, v8  }
0x98: {  	v8 =	vld.idx.msk [tilespmem:v10+s12+$0x0], $0xffff;
	v10 =	vor.u32 $0x6, v1  }
0x99: {  	v15 =	vor.u32 $0x6, v2;
	v11 =	vld.idx.msk [tilespmem:v11+s18+$0x0], $0xffff;
	v3 =	vmul.f32 v4, v3;
	v6 =	vadd.f32 $0.0e+00, v6  }
0x9a: {  	v40 =	vor.u32 $0x7, v1;
	v4 =	vld.idx.msk [tilespmem:v12+s12+$0x0], $0xffff  }
0x9b: {  	v16 =	vor.u32 $0x7, v2;
	v13 =	vld.idx.msk [tilespmem:v13+s18+$0x0], $0xffff;
	v5 =	vmul.f32 v7, v5;
	v3 =	vadd.f32 v3, v6  }
0x9c: {  	v7 =	vor.u32 $0x8, v1;
	v6 =	vld.idx.msk [tilespmem:v14+s12+$0x0], $0xffff  }
0x9d: {  	v41 =	vor.u32 $0x8, v2;
	v10 =	vld.idx.msk [tilespmem:v10+s18+$0x0], $0xffff;
	v3 =	vadd.f32 v5, v3;
	v5 =	vmul.f32 v8, v9  }
0x9e: {  	v8 =	vld.idx.msk [tilespmem:v15+s12+$0x0], $0xffff;
	v9 =	vor.u32 $0x9, v1  }
0x9f: {  	v42 =	vor.u32 $0x9, v2;
	v12 =	vld.idx.msk [tilespmem:v40+s18+$0x0], $0xffff;
	v4 =	vmul.f32 v4, v11;
	v3 =	vadd.f32 v5, v3  }
0xa0: {  	v11 =	vor.u32 $0xA, v1;
	v5 =	vld.idx.msk [tilespmem:v16+s12+$0x0], $0xffff  }
0xa1: {  	v43 =	vor.u32 $0xA, v2;
	v7 =	vld.idx.msk [tilespmem:v7+s18+$0x0], $0xffff;
	v3 =	vadd.f32 v4, v3;
	v4 =	vmul.f32 v6, v13  }
0xa2: {  	v44 =	vor.u32 $0xB, v1;
	v6 =	vld.idx.msk [tilespmem:v41+s12+$0x0], $0xffff  }
0xa3: {  	v45 =	vor.u32 $0xB, v2;
	v9 =	vld.idx.msk [tilespmem:v9+s18+$0x0], $0xffff;
	v3 =	vadd.f32 v4, v3;
	v4 =	vmul.f32 v8, v10  }
0xa4: {  	v8 =	vld.idx.msk [tilespmem:v42+s12+$0x0], $0xffff;
	v10 =	vor.u32 $0xC, v1  }
0xa5: {  	v46 =	vor.u32 $0xC, v2;
	v11 =	vld.idx.msk [tilespmem:v11+s18+$0x0], $0xffff;
	v3 =	vadd.f32 v4, v3;
	v4 =	vmul.f32 v5, v12  }
0xa6: {  	v47 =	vor.u32 $0xD, v1;
	v5 =	vld.idx.msk [tilespmem:v43+s12+$0x0], $0xffff  }
0xa7: {  	v48 =	vor.u32 $0xD, v2;
	v13 =	vld.idx.msk [tilespmem:v44+s18+$0x0], $0xffff;
	v3 =	vadd.f32 v4, v3;
	v4 =	vmul.f32 v6, v7  }
0xa8: {  	v6 =	vld.idx.msk [tilespmem:v45+s12+$0x0], $0xffff;
	v7 =	vor.u32 $0xE, v1  }
0xa9: {  	v49 =	vor.u32 $0xE, v2;
	v10 =	vld.idx.msk [tilespmem:v10+s18+$0x0], $0xffff;
	v3 =	vadd.f32 v4, v3;
	v4 =	vmul.f32 v8, v9  }
0xaa: {  	v2 =	vor.u32 $0xF, v2;
	v8 =	vld.idx.msk [tilespmem:v46+s12+$0x0], $0xffff  }
0xab: {  	v1 =	vor.u32 $0xF, v1;
	v9 =	vld.idx.msk [tilespmem:v47+s18+$0x0], $0xffff;
	v3 =	vadd.f32 v4, v3;
	v4 =	vmul.f32 v5, v11  }
0xac: {  	v5 =	vld.idx.msk [tilespmem:v48+s12+$0x0], $0xffff  }
0xad: {  	v7 =	vld.idx.msk [tilespmem:v7+s18+$0x0], $0xffff;
	v3 =	vadd.f32 v4, v3;
	v4 =	vmul.f32 v6, v13  }
0xae: {  	v6 =	vld.idx.msk [tilespmem:v49+s12+$0x0], $0xffff  }
0xaf: {  	v2 =	vld.idx.msk [tilespmem:v2+s12+$0x0], $0xffff;
	v3 =	vadd.f32 v4, v3;
	v4 =	vmul.f32 v8, v10  }
0xb0: {  	s23 =	simm.s32 $0x10;
	v1 =	vld.idx.msk [tilespmem:v1+s18+$0x0], $0xffff  }
0xb1: {  	v8 =	vor.u32 s23, v0;
	v3 =	vadd.f32 v4, v3;
	v4 =	vmul.f32 v5, v9  }
0xb2: {  	v5 =	vmulhi.u32 $0xCCCCCCCD, v8  }
0xb3: {  	v3 =	vadd.f32 v4, v3;
	v4 =	vmul.f32 v6, v7  }
0xb4: {  	v5 =	vshrl.u32 v5, $0x2  }
0xb5: {  	v1 =	vmul.f32 v2, v1;
	v5 =	vshll.u32 v5, $0x4;
	v3 =	vadd.f32 v4, v3  }
0xb6: {  	v2 =	vshll.u32 v8, $0x4  }
0xb7: {  	v4 =	vor.u32 $0x1, v2;
	v1 =	vadd.f32 v1, v3  }
0xb8: {  	v3 =	vor.u32 $0x1, v5  }
0xb9: {  	v6 =	vor.u32 $0x2, v2;
	[tilespmem:s20+$0x0] =	vst v1  }
0xba: {  	v7 =	vor.u32 $0x2, v5;
	v1 =	vld.idx.msk [tilespmem:v5+s12+$0x0], $0xffff  }
0xbb: {  	v9 =	vor.u32 $0x3, v2;
	v8 =	vld.idx.msk [tilespmem:v2+s18+$0x0], $0xffff  }
0xbc: {  	v10 =	vor.u32 $0x3, v5;
	v4 =	vld.idx.msk [tilespmem:v4+s18+$0x0], $0xffff  }
0xbd: {  	v11 =	vor.u32 $0x4, v2;
	v3 =	vld.idx.msk [tilespmem:v3+s12+$0x0], $0xffff  }
0xbe: {  	v50 =	vor.u32 $0x4, v5;
	v6 =	vld.idx.msk [tilespmem:v6+s18+$0x0], $0xffff  }
0xbf: {  	v51 =	vor.u32 $0x5, v2;
	v7 =	vld.idx.msk [tilespmem:v7+s12+$0x0], $0xffff  }
0xc0: {  	v52 =	vor.u32 $0x5, v5;
	v9 =	vld.idx.msk [tilespmem:v9+s18+$0x0], $0xffff;
	v1 =	vmul.f32 v1, v8  }
0xc1: {  	v8 =	vld.idx.msk [tilespmem:v10+s12+$0x0], $0xffff;
	v10 =	vor.u32 $0x6, v2  }
0xc2: {  	v53 =	vor.u32 $0x6, v5;
	v11 =	vld.idx.msk [tilespmem:v11+s18+$0x0], $0xffff;
	v1 =	vadd.f32 $0.0e+00, v1;
	v3 =	vmul.f32 v3, v4  }
0xc3: {  	v54 =	vor.u32 $0x7, v2;
	v4 =	vld.idx.msk [tilespmem:v50+s12+$0x0], $0xffff  }
0xc4: {  	v55 =	vor.u32 $0x7, v5;
	v13 =	vld.idx.msk [tilespmem:v51+s18+$0x0], $0xffff;
	v1 =	vadd.f32 v3, v1;
	v3 =	vmul.f32 v7, v6  }
0xc5: {  	v6 =	vld.idx.msk [tilespmem:v52+s12+$0x0], $0xffff;
	v7 =	vor.u32 $0x8, v2  }
0xc6: {  	v56 =	vor.u32 $0x8, v5;
	v10 =	vld.idx.msk [tilespmem:v10+s18+$0x0], $0xffff;
	v1 =	vadd.f32 v3, v1;
	v3 =	vmul.f32 v8, v9  }
0xc7: {  	v8 =	vld.idx.msk [tilespmem:v53+s12+$0x0], $0xffff;
	v9 =	vor.u32 $0x9, v2  }
0xc8: {  	v57 =	vor.u32 $0x9, v5;
	v12 =	vld.idx.msk [tilespmem:v54+s18+$0x0], $0xffff;
	v1 =	vadd.f32 v3, v1;
	v3 =	vmul.f32 v4, v11  }
0xc9: {  	v4 =	vld.idx.msk [tilespmem:v55+s12+$0x0], $0xffff;
	v11 =	vor.u32 $0xA, v2  }
0xca: {  	v58 =	vor.u32 $0xA, v5;
	v7 =	vld.idx.msk [tilespmem:v7+s18+$0x0], $0xffff;
	v1 =	vadd.f32 v3, v1;
	v3 =	vmul.f32 v6, v13  }
0xcb: {  	v59 =	vor.u32 $0xB, v2;
	v6 =	vld.idx.msk [tilespmem:v56+s12+$0x0], $0xffff  }
0xcc: {  	v60 =	vor.u32 $0xB, v5;
	v9 =	vld.idx.msk [tilespmem:v9+s18+$0x0], $0xffff;
	v1 =	vadd.f32 v3, v1;
	v3 =	vmul.f32 v8, v10  }
0xcd: {  	v8 =	vld.idx.msk [tilespmem:v57+s12+$0x0], $0xffff;
	v10 =	vor.u32 $0xC, v2  }
0xce: {  	v61 =	vor.u32 $0xC, v5;
	v11 =	vld.idx.msk [tilespmem:v11+s18+$0x0], $0xffff;
	v1 =	vadd.f32 v3, v1;
	v3 =	vmul.f32 v4, v12  }
0xcf: {  	v62 =	vor.u32 $0xD, v2;
	v4 =	vld.idx.msk [tilespmem:v58+s12+$0x0], $0xffff  }
0xd0: {  	v63 =	vor.u32 $0xD, v5;
	v13 =	vld.idx.msk [tilespmem:v59+s18+$0x0], $0xffff;
	v1 =	vadd.f32 v3, v1;
	v3 =	vmul.f32 v6, v7  }
0xd1: {  	v6 =	vld.idx.msk [tilespmem:v60+s12+$0x0], $0xffff;
	v7 =	vor.u32 $0xE, v2  }
0xd2: {  	v10 =	vld.idx.msk [tilespmem:v10+s18+$0x0], $0xffff;
	v1 =	vadd.f32 v3, v1;
	v3 =	vmul.f32 v8, v9;
	v8 =	vor.u32 $0xE, v5  }
0xd3: {  	v2 =	vor.u32 $0xF, v2;
	v9 =	vld.idx.msk [tilespmem:v61+s12+$0x0], $0xffff  }
0xd4: {  	v12 =	vld.idx.msk [tilespmem:v62+s18+$0x0], $0xffff;
	v5 =	vor.u32 $0xF, v5;
	v1 =	vadd.f32 v3, v1;
	v3 =	vmul.f32 v4, v11  }
0xd5: {  	v11 =	vld.idx.msk [tilespmem:v63+s12+$0x0], $0xffff  }
0xd6: {  	v6 =	vmul.f32 v6, v13;
	v4 =	vadd.f32 v3, v1;
	v1 =	vld.idx.msk [tilespmem:v7+s18+$0x0], $0xffff  }
0xd7: {  	v3 =	vld.idx.msk [tilespmem:v8+s12+$0x0], $0xffff  }
0xd8: {  	v2 =	vld.idx.msk [tilespmem:v2+s18+$0x0], $0xffff;
	v7 =	vmul.f32 v9, v10;
	v6 =	vadd.f32 v6, v4  }
0xd9: {  	s23 =	simm.s32 $0x20;
	v5 =	vld.idx.msk [tilespmem:v5+s12+$0x0], $0xffff  }
0xda: {  	v4 =	vor.u32 s23, v0;
	v8 =	vmul.f32 v11, v12;
	v6 =	vadd.f32 v7, v6  }
0xdb: {  	s22 =	simm.s32 $0xCC00;
	s23 =	simm.s32 $0x30;
	v7 =	vmulhi.u32 $0xCCCCCCCD, v4  }
.LBB2_2:
0xdc: {  	p0 =	sne.s32 s23, $0x9F0;
	v6 =	vadd.f32 v8, v6;
	v1 =	vmul.f32 v3, v1  }
0xdd: {  	v3 =	vshrl.u32 v7, $0x2  }
0xde: {  	v2 =	vmul.f32 v5, v2;
	v3 =	vshll.u32 v3, $0x4;
	v1 =	vadd.f32 v1, v6  }
0xdf: {  	v4 =	vshll.u32 v4, $0x4  }
0xe0: {  	v5 =	vor.u32 $0x1, v4;
	v1 =	vadd.f32 v2, v1  }
0xe1: {  	s22 =	sadd.s32 $0x10, s22;
	v2 =	vor.u32 $0x1, v3  }
0xe2: {  	v6 =	vor.u32 $0x2, v4;
	[tilespmem:s22+$0x0] =	vst v1  }
0xe3: {  	v7 =	vor.u32 $0x2, v3;
	v1 =	vld.idx.msk [tilespmem:v3+s12+$0x0], $0xffff  }
0xe4: {  	v9 =	vor.u32 $0x3, v4;
	v8 =	vld.idx.msk [tilespmem:v4+s18+$0x0], $0xffff  }
0xe5: {  	v10 =	vor.u32 $0x3, v3;
	v5 =	vld.idx.msk [tilespmem:v5+s18+$0x0], $0xffff  }
0xe6: {  	v11 =	vor.u32 $0x4, v4;
	v2 =	vld.idx.msk [tilespmem:v2+s12+$0x0], $0xffff  }
0xe7: {  	v12 =	vor.u32 $0x4, v3;
	v6 =	vld.idx.msk [tilespmem:v6+s18+$0x0], $0xffff  }
0xe8: {  	v13 =	vor.u32 $0x5, v4;
	v7 =	vld.idx.msk [tilespmem:v7+s12+$0x0], $0xffff  }
0xe9: {  	v14 =	vor.u32 $0x5, v3;
	v9 =	vld.idx.msk [tilespmem:v9+s18+$0x0], $0xffff  }
0xea: {  	v1 =	vmul.f32 v1, v8;
	v8 =	vld.idx.msk [tilespmem:v10+s12+$0x0], $0xffff;
	v10 =	vor.u32 $0x6, v4  }
0xeb: {  	v15 =	vor.u32 $0x6, v3;
	v11 =	vld.idx.msk [tilespmem:v11+s18+$0x0], $0xffff  }
0xec: {  	v1 =	vadd.f32 $0.0e+00, v1;
	v2 =	vmul.f32 v2, v5;
	v5 =	vld.idx.msk [tilespmem:v12+s12+$0x0], $0xffff;
	v12 =	vor.u32 $0x7, v4  }
0xed: {  	v16 =	vor.u32 $0x7, v3;
	v13 =	vld.idx.msk [tilespmem:v13+s18+$0x0], $0xffff  }
0xee: {  	v1 =	vadd.f32 v2, v1;
	v2 =	vmul.f32 v7, v6;
	v7 =	vor.u32 $0x8, v4;
	v6 =	vld.idx.msk [tilespmem:v14+s12+$0x0], $0xffff  }
0xef: {  	v14 =	vor.u32 $0x8, v3;
	v10 =	vld.idx.msk [tilespmem:v10+s18+$0x0], $0xffff  }
0xf0: {  	v1 =	vadd.f32 v2, v1;
	v2 =	vmul.f32 v8, v9;
	v9 =	vor.u32 $0x9, v4;
	v8 =	vld.idx.msk [tilespmem:v15+s12+$0x0], $0xffff  }
0xf1: {  	v15 =	vor.u32 $0x9, v3;
	v12 =	vld.idx.msk [tilespmem:v12+s18+$0x0], $0xffff  }
0xf2: {  	v1 =	vadd.f32 v2, v1;
	v2 =	vmul.f32 v5, v11;
	v11 =	vor.u32 $0xA, v4;
	v5 =	vld.idx.msk [tilespmem:v16+s12+$0x0], $0xffff  }
0xf3: {  	v16 =	vor.u32 $0xA, v3;
	v7 =	vld.idx.msk [tilespmem:v7+s18+$0x0], $0xffff  }
0xf4: {  	v1 =	vadd.f32 v2, v1;
	v2 =	vmul.f32 v6, v13;
	v13 =	vor.u32 $0xB, v4;
	v6 =	vld.idx.msk [tilespmem:v14+s12+$0x0], $0xffff  }
0xf5: {  	v14 =	vor.u32 $0xB, v3;
	v9 =	vld.idx.msk [tilespmem:v9+s18+$0x0], $0xffff  }
0xf6: {  	v1 =	vadd.f32 v2, v1;
	v2 =	vmul.f32 v8, v10;
	v10 =	vor.u32 $0xC, v4;
	v8 =	vld.idx.msk [tilespmem:v15+s12+$0x0], $0xffff  }
0xf7: {  	v15 =	vor.u32 $0xC, v3;
	v11 =	vld.idx.msk [tilespmem:v11+s18+$0x0], $0xffff  }
0xf8: {  	v1 =	vadd.f32 v2, v1;
	v2 =	vmul.f32 v5, v12;
	v12 =	vor.u32 $0xD, v4;
	v5 =	vld.idx.msk [tilespmem:v16+s12+$0x0], $0xffff  }
0xf9: {  	v16 =	vor.u32 $0xD, v3;
	v13 =	vld.idx.msk [tilespmem:v13+s18+$0x0], $0xffff  }
0xfa: {  	v1 =	vadd.f32 v2, v1;
	v2 =	vmul.f32 v6, v7;
	v7 =	vor.u32 $0xE, v4;
	v6 =	vld.idx.msk [tilespmem:v14+s12+$0x0], $0xffff  }
0xfb: {  	v14 =	vor.u32 $0xE, v3;
	v10 =	vld.idx.msk [tilespmem:v10+s18+$0x0], $0xffff  }
0xfc: {  	v4 =	vor.u32 $0xF, v4;
	v1 =	vadd.f32 v2, v1;
	v2 =	vmul.f32 v8, v9;
	v8 =	vld.idx.msk [tilespmem:v15+s12+$0x0], $0xffff  }
0xfd: {  	v9 =	vld.idx.msk [tilespmem:v12+s18+$0x0], $0xffff;
	v12 =	vor.u32 $0xF, v3  }
0xfe: {  	v2 =	vadd.f32 v2, v1;
	v3 =	vmul.f32 v5, v11;
	v11 =	vld.idx.msk [tilespmem:v16+s12+$0x0], $0xffff  }
0xff: {  	v1 =	vld.idx.msk [tilespmem:v7+s18+$0x0], $0xffff  }
0x100: {  	v5 =	vadd.f32 v3, v2;
	v6 =	vmul.f32 v6, v13;
	v3 =	vld.idx.msk [tilespmem:v14+s12+$0x0], $0xffff  }
.Ltmp0:
0x101: {  	v2 =	vld.idx.msk [tilespmem:v4+s18+$0x0], $0xffff;
	(pc) =	sbr.rel @p0 .LBB2_2-.Ltmp0, $3  }
0x102: {  	v6 =	vadd.f32 v6, v5;
	v7 =	vmul.f32 v8, v10;
	v5 =	vld.idx.msk [tilespmem:v12+s12+$0x0], $0xffff;
	_ =	sdelay $0x1  }
0x103: {  	v4 =	vor.u32 s23, v0;
	v6 =	vadd.f32 v7, v6;
	v8 =	vmul.f32 v11, v9  }
0x104: {  	s23 =	sadd.s32 $0x10, s23;
	v7 =	vmulhi.u32 $0xCCCCCCCD, v4  }
0x105: {  	v6 =	vadd.f32 v8, v6;
	v1 =	vmul.f32 v3, v1  }
0x106: {  	v3 =	vshrl.u32 v7, $0x2  }
0x107: {  	v2 =	vmul.f32 v5, v2;
	v3 =	vshll.u32 v3, $0x4;
	v1 =	vadd.f32 v1, v6  }
0x108: {  	v4 =	vshll.u32 v4, $0x4  }
0x109: {  	v31 =	vor.u32 $0x1, v4;
	v1 =	vadd.f32 v2, v1  }
0x10a: {  	s22 =	sadd.s32 $0x10, s22;
	v2 =	vor.u32 $0x1, v3  }
0x10b: {  	v32 =	vor.u32 $0x2, v4;
	[tilespmem:s22+$0x0] =	vst v1  }
0x10c: {  	v33 =	vor.u32 $0x2, v3;
	v1 =	vld.idx.msk [tilespmem:v3+s12+$0x0], $0xffff  }
0x10d: {  	v9 =	vor.u32 $0x3, v4;
	v34 =	vld.idx.msk [tilespmem:v4+s18+$0x0], $0xffff  }
0x10e: {  	v10 =	vor.u32 $0x3, v3;
	v5 =	vld.idx.msk [tilespmem:v31+s18+$0x0], $0xffff  }
0x10f: {  	v11 =	vor.u32 $0x4, v4;
	v2 =	vld.idx.msk [tilespmem:v2+s12+$0x0], $0xffff  }
0x110: {  	v12 =	vor.u32 $0x4, v3;
	v6 =	vld.idx.msk [tilespmem:v32+s18+$0x0], $0xffff  }
0x111: {  	v13 =	vor.u32 $0x5, v4;
	v7 =	vld.idx.msk [tilespmem:v33+s12+$0x0], $0xffff  }
0x112: {  	v14 =	vor.u32 $0x5, v3;
	v9 =	vld.idx.msk [tilespmem:v9+s18+$0x0], $0xffff;
	v1 =	vmul.f32 v1, v34  }
0x113: {  	v36 =	vor.u32 $0x6, v4;
	v35 =	vld.idx.msk [tilespmem:v10+s12+$0x0], $0xffff  }
0x114: {  	v15 =	vor.u32 $0x6, v3;
	v11 =	vld.idx.msk [tilespmem:v11+s18+$0x0], $0xffff;
	v1 =	vadd.f32 $0.0e+00, v1;
	v2 =	vmul.f32 v2, v5  }
0x115: {  	v38 =	vor.u32 $0x7, v4;
	v37 =	vld.idx.msk [tilespmem:v12+s12+$0x0], $0xffff  }
0x116: {  	v16 =	vor.u32 $0x7, v3;
	v13 =	vld.idx.msk [tilespmem:v13+s18+$0x0], $0xffff;
	v1 =	vadd.f32 v2, v1;
	v2 =	vmul.f32 v7, v6  }
0x117: {  	v41 =	vor.u32 $0x8, v3;
	v39 =	vld.idx.msk [tilespmem:v14+s12+$0x0], $0xffff  }
0x118: {  	v40 =	vor.u32 $0x8, v4;
	v10 =	vld.idx.msk [tilespmem:v36+s18+$0x0], $0xffff;
	v1 =	vadd.f32 v2, v1;
	v2 =	vmul.f32 v35, v9  }
0x119: {  	v44 =	vor.u32 $0x9, v3;
	v42 =	vld.idx.msk [tilespmem:v15+s12+$0x0], $0xffff  }
0x11a: {  	v43 =	vor.u32 $0x9, v4;
	v12 =	vld.idx.msk [tilespmem:v38+s18+$0x0], $0xffff;
	v1 =	vadd.f32 v2, v1;
	v2 =	vmul.f32 v37, v11  }
0x11b: {  	v47 =	vor.u32 $0xA, v3;
	v45 =	vld.idx.msk [tilespmem:v16+s12+$0x0], $0xffff  }
0x11c: {  	v46 =	vor.u32 $0xA, v4;
	v48 =	vld.idx.msk [tilespmem:v41+s12+$0x0], $0xffff;
	v1 =	vadd.f32 v2, v1;
	v2 =	vmul.f32 v39, v13  }
0x11d: {  	v50 =	vor.u32 $0xB, v3;
	v7 =	vld.idx.msk [tilespmem:v40+s18+$0x0], $0xffff  }
0x11e: {  	v49 =	vor.u32 $0xB, v4;
	v51 =	vld.idx.msk [tilespmem:v44+s12+$0x0], $0xffff;
	v1 =	vadd.f32 v2, v1;
	v2 =	vmul.f32 v42, v10  }
0x11f: {  	v53 =	vor.u32 $0xC, v3;
	v9 =	vld.idx.msk [tilespmem:v43+s18+$0x0], $0xffff  }
0x120: {  	v52 =	vor.u32 $0xC, v4;
	v54 =	vld.idx.msk [tilespmem:v47+s12+$0x0], $0xffff;
	v1 =	vadd.f32 v2, v1;
	v2 =	vmul.f32 v45, v12  }
0x121: {  	v55 =	vor.u32 $0xD, v4;
	v11 =	vld.idx.msk [tilespmem:v46+s18+$0x0], $0xffff  }
0x122: {  	v56 =	vor.u32 $0xD, v3;
	v57 =	vld.idx.msk [tilespmem:v50+s12+$0x0], $0xffff;
	v1 =	vadd.f32 v2, v1;
	v2 =	vmul.f32 v48, v7  }
0x123: {  	v59 =	vor.u32 $0xE, v3;
	v13 =	vld.idx.msk [tilespmem:v49+s18+$0x0], $0xffff  }
0x124: {  	v58 =	vor.u32 $0xE, v4;
	v60 =	vld.idx.msk [tilespmem:v53+s12+$0x0], $0xffff;
	v1 =	vadd.f32 v2, v1;
	v2 =	vmul.f32 v51, v9  }
0x125: {  	v4 =	vor.u32 $0xF, v4;
	v10 =	vld.idx.msk [tilespmem:v52+s18+$0x0], $0xffff  }
0x126: {  	v61 =	vld.idx.msk [tilespmem:v55+s18+$0x0], $0xffff;
	v3 =	vor.u32 $0xF, v3;
	v1 =	vadd.f32 v2, v1;
	v2 =	vmul.f32 v54, v11  }
0x127: {  	v62 =	vld.idx.msk [tilespmem:v56+s12+$0x0], $0xffff  }
0x128: {  	v63 =	vld.idx.msk [tilespmem:v59+s12+$0x0], $0xffff;
	v1 =	vadd.f32 v2, v1;
	v2 =	vmul.f32 v57, v13  }
0x129: {  	v7 =	vld.idx.msk [tilespmem:v58+s18+$0x0], $0xffff  }
0x12a: {  	v4 =	vld.idx.msk [tilespmem:v4+s18+$0x0], $0xffff;
	v1 =	vadd.f32 v2, v1;
	v2 =	vmul.f32 v60, v10  }
0x12b: {  	v3 =	vld.idx.msk [tilespmem:v3+s12+$0x0], $0xffff  }
0x12c: {  	v1 =	vadd.f32 v2, v1;
	v2 =	vmul.f32 v62, v61;
	_ =	sdelay $0x1  }
0x12d: {  	v1 =	vadd.f32 v2, v1;
	v2 =	vmul.f32 v63, v7;
	_ =	sdelay $0x1  }
0x12e: {  	v1 =	vadd.f32 v2, v1;
	v2 =	vmul.f32 v3, v4;
	_ =	sdelay $0x1  }
0x12f: {  	s21 =	sadd.s32 $0x1, s21;
	v1 =	vadd.f32 v2, v1  }
0x130: {  	p0 =	sne.s32 s21, s8;
	s22 =	sadd.s32 $0x10, s22  }
.Ltmp1:
0x131: {  	[tilespmem:s22+$0x0] =	vst v1;
	(pc) =	sbr.rel @p0 .LBB2_1-.Ltmp1, $4  }
0x132: {  	[hbm4b:s7+s2] =	stream.linear.scatter [tilespmem:s20], [sflag:$0x2], $0xA00, $0x38;
	[tilespmem:$0xD600] =	vst v63  }
0x133: {  	_ =	swait.ge [sflag:s9], $0xA00  }
0x134: {  	[sflag:s9] =	ssyncset.done $0x0  }
0x135: {  	[sflag:s9] =	ssyncadd.s32 $0xFFFFF600  }
0x136: {  	_ =	sfence.sel $0x180000  }
0x137: {  	[bflag:$0x0] =	sbarrier.arrive $0xFFFF  }
0x138: {  	_ =	strace $0x90000047  }
0x139: {  	s0 =	stileid.u32;
	[bflag:$0x2] =	sbarrier.arrive $0xFFFF  }
0x13a: {  	p0 =	sne.s32 s0, $0x0;
	s0 =	rddreg [dreg:$0x3]  }
0x13b: {  	s0 =	sadd.s32 @!p0 $0x100000, s0  }
0x13c: {  	[sflag:s0] =	ssyncadd.tile.s32 @!p0 $0x1;
	_ =	shalt  }
.Lfunc_end2:
_tile_overlayer_lowered:
.L_overlay_start_2:
0x13d: {  	(tag) =	ssettag $0x2  }
0x13e: {  	s0 =	rddreg [dreg:$0x0];
	s2 =	stileid.u32  }
0x13f: {  	s1 =	rddreg [dreg:$0x1];
	p0 =	sne.s32 s2, $0x0  }
0x140: {  	s3 =	rddreg [dreg:$0x2];
	[bflag:$0x3] =	sbarrier.arrive $0xFFFF;
	s2 =	simm.s32 @!p0 $0x1C02  }
0x141: {  	[timem:s3], [sflag:s2] =	dma.local @!p0 [hbm:s0], s1  }
0x142: {  	s0 =	simm.s32 @!p0 $0x2  }
0x143: {  	_ =	swait.ge @!p0 [sflag:s0], s1  }
0x144: {  	s1 =	ssub.s32 @!p0 $0x0, s1;
	[sflag:s0] =	ssyncset.done @!p0 $0x0  }
0x145: {  	[sflag:s0] =	ssyncadd.s32 @!p0 s1  }
0x146: {  	[bflag:$0x3] =	sbarrier.arrive $0xFFFF  }
0x147: {  	_ =	shalt  }

</sc_bundles>
